<compile_context>
chip_gen: v7x
topology: tpu7x:2x2x1
jax: 0.10.2.dev20260603
libtpu: 0.0.44.dev20260713+nightly
codegen_flags: <defaults>
</compile_context>

<pallas_src>
import functools
import math

import jax
import jax.numpy as jnp
import numpy as np
from jax.experimental import pallas as pl
from jax.experimental.pallas import tpu as pltpu
from jax.experimental.pallas import tpu_sc as plsc

B = 8
M = 256
EMBD = 128
K3D = 128
MAX_Z = 101
OFF = 128

_R = 4096
_A = (2 * 3.14159) ** 0.5
_INV_SQRT2 = 1.0 / math.sqrt(2.0)


_TWO_PI_PARTS = (6.28125, 0.0019353071693331003)
_INV_TWO_PI = float(np.float32(1.0 / (2.0 * np.pi)))
_SIN_COEFS = (2.1401396767539715e-06, -0.00019249443151001314,
              0.008307955164852027, -0.16662189927828033,
              0.9999778011834951)
_HALF_PI_SQ = float(np.float32((np.pi / 2.0) ** 2))


def _sincos_premul(phase, kf):
    r = phase
    for p in _TWO_PI_PARTS:
        r = r - kf * p
    s = r * r
    pol = _SIN_COEFS[0]
    for c in _SIN_COEFS[1:]:
        pol = pol * s + c
    sin_v = r * pol
    w = jnp.maximum(1.0 - sin_v * sin_v, 1e-30)
    cmag = w * jax.lax.rsqrt(w)
    cos_v = jnp.where(s < _HALF_PI_SQ, cmag, -cmag)
    return sin_v, cos_v


def _acos(z):
    return jnp.arctan2(jnp.sqrt(jnp.maximum(1.0 - z * z, 0.0)), z)


def _geom_kernel(pos_col_ref, pos_row_ref, d_ref, az_ref, pol_ref):
    pc = pos_col_ref[0]
    pr = pos_row_ref[0]
    dx = pr[0:1, :] - pc[:, 0:1]
    dy = pr[1:2, :] - pc[:, 1:2]
    dz = pr[2:3, :] - pc[:, 2:3]
    s = dx * dx + dy * dy + dz * dz
    d_ref[0] = jnp.sqrt(s + 1e-12)
    az_ref[0] = jnp.arctan2(dy, dx)
    ndz = dz / (jnp.sqrt(s) + 1e-5)
    pol_ref[0] = _acos(jnp.clip(ndz, -1.0, 1.0))


def _pair_kernel(geo_ref, mb_ref, means_ref, stds_ref,
                 l1w_ref, l1b_ref, w2_ref, b2_ref, fr_ref, out_ref):
    geo = geo_ref[...]
    d = geo[:, 0:1]
    az = geo[:, 1:2]
    po = geo[:, 2:3]
    mul = mb_ref[0, 0]
    bias = mb_ref[0, 1]
    std = jnp.abs(stds_ref[...]) + 0.01
    inv_std = 1.0 / std
    _KE = 0.8493218002880191
    ac = (mul * _KE) * inv_std
    cc = (bias - means_ref[...]) * inv_std * _KE
    c2 = -jnp.log2(_A * std)
    arg = d * ac + cc
    gk = jnp.exp2(c2 - arg * arg)
    hid2 = jnp.dot(gk.astype(jnp.bfloat16), l1w_ref[...],
                   preferred_element_type=jnp.float32)
    hid2 = hid2 + l1b_ref[...]
    h2 = _INV_SQRT2 * hid2
    hid = h2 * jax.lax.erf(hid2) + h2
    fr = fr_ref[...]
    azpo = jnp.concatenate(
        [jnp.broadcast_to(az, (az.shape[0], 64)),
         jnp.broadcast_to(po, (po.shape[0], 64))], axis=1)
    ph = azpo * fr
    kf = jnp.floor(ph * _INV_TWO_PI + 0.5)
    sin_c, cos_c = _sincos_premul(ph, kf)
    feats = jnp.concatenate(
        [hid.astype(jnp.bfloat16),
         sin_c.astype(jnp.bfloat16), cos_c.astype(jnp.bfloat16)],
        axis=1)
    e = jnp.dot(feats, w2_ref[...], preferred_element_type=jnp.float32)
    out_ref[...] = e + b2_ref[...]


def _h_table_kernel(emb_ref, ec_ref, cfgwt_ref, cfgb_ref, mult_ref, chg_ref,
                    multtab_ref, chgtab_ref, t2_ref):
    f32 = jnp.float32
    elec = jnp.dot(ec_ref[...], cfgwt_ref[...],
                   preferred_element_type=f32) + cfgb_ref[...]
    t = emb_ref[...] + elec
    lane = jax.lax.broadcasted_iota(jnp.int32, (1, 128), 1)
    moh = (mult_ref[...] == lane).astype(f32)
    coh = ((chg_ref[...] + OFF // 2) == lane).astype(f32)
    g = jnp.dot(moh, multtab_ref[...], preferred_element_type=f32)
    g = g + jnp.dot(coh, chgtab_ref[...], preferred_element_type=f32)
    row = jax.lax.broadcasted_iota(jnp.int32, (128, 1), 0)
    boh = (row == (MAX_Z + 1) +
           jax.lax.broadcasted_iota(jnp.int32, (1, B), 1)).astype(f32)
    grows = jnp.dot(boh, g, preferred_element_type=f32)
    is_cls = ((row >= MAX_Z + 1) & (row < MAX_Z + 1 + B)).astype(f32)
    emb101 = emb_ref[MAX_Z:MAX_Z + 1, :]
    t2_ref[...] = t + is_cls * (emb101 + grows - t)


def _sc_gather(table, idx):
    n = idx.shape[0]
    win = 128
    mesh = plsc.VectorSubcoreMesh(core_axis_name="c", subcore_axis_name="s")

    @functools.partial(
        pl.kernel,
        out_type=jax.ShapeDtypeStruct((n, table.shape[1]), table.dtype),
        mesh=mesh)
    def k(x_hbm, i_hbm, o_hbm):
        def body(i_vmem, o_vmem):
            pltpu.sync_copy(x_hbm.at[i_vmem.at[0]], o_vmem)

        pltpu.emit_pipeline(
            body,
            grid=(n // win,),
            in_specs=[pl.BlockSpec((1, win), index_map=lambda i: (0, i))],
            out_specs=[pl.BlockSpec((win, table.shape[1]),
                                    index_map=lambda i: (i, 0))],
            core_axis_name="s",
            dimension_semantics=(pltpu.PARALLEL,),
        )(i_hbm, o_hbm)

    return k(table, idx.reshape(1, n))


def kernel(positions, atomic_numbers, mask, multiplicity, charge, emb_table,
           electron_config, cfg_W, cfg_b, mult_table, charge_table, means,
           stds, mul_w, bias_w, l1_W, l1_b, l2_W, l2_b, freqs_az, freqs_po,
           proj_W, proj_b):
    f32 = jnp.float32
    pos = jnp.concatenate([jnp.zeros_like(positions[:, :1]), positions], 1)
    msk = jnp.concatenate([jnp.ones_like(mask[:, :1]), mask], 1)

    pos_row = jnp.transpose(pos, (0, 2, 1))
    d, azm, pol = pl.pallas_call(
        _geom_kernel,
        grid=(B,),
        in_specs=[
            pl.BlockSpec((1, M, 3), lambda b: (b, 0, 0)),
            pl.BlockSpec((1, 3, M), lambda b: (b, 0, 0)),
        ],
        out_specs=[pl.BlockSpec((1, M, M), lambda b: (b, 0, 0))] * 3,
        out_shape=[jax.ShapeDtypeStruct((B, M, M), f32)] * 3,
    )(pos, pos_row)

    nrows = B * M * M
    grid = nrows // _R
    geo = jnp.stack([d, azm, pol], axis=-1).reshape(nrows, 3)
    mb = jnp.stack([mul_w[0, 0], bias_w[0, 0]]).reshape(1, 2)
    col = pl.BlockSpec((_R, 3), lambda g: (g, 0))
    full = lambda shape: pl.BlockSpec(shape, lambda g: (0,) * len(shape))
    bf16 = jnp.bfloat16
    pt = proj_W.T
    w2 = jnp.concatenate(
        [l2_W.T, pt[0:64], pt[128:192], pt[64:128], pt[192:256]],
        axis=0).astype(bf16)
    b2 = (l2_b + proj_b).reshape(1, EMBD)
    e_flat = pl.pallas_call(
        _pair_kernel,
        grid=(grid,),
        in_specs=[
            col,
            full((1, 2)),
            full((1, K3D)), full((1, K3D)),
            full((K3D, K3D)), full((1, K3D)),
            full((K3D + 256, EMBD)), full((1, EMBD)),
            full((1, 128)),
        ],
        out_specs=pl.BlockSpec((_R, EMBD), lambda g: (g, 0)),
        out_shape=jax.ShapeDtypeStruct((nrows, EMBD), f32),
        compiler_params=pltpu.CompilerParams(
            dimension_semantics=("arbitrary",)),
    )(geo, mb, means.reshape(1, K3D), stds.reshape(1, K3D),
      (l1_W.T * _INV_SQRT2).astype(bf16),
      (l1_b * _INV_SQRT2).reshape(1, K3D), w2, b2,
      jnp.concatenate([freqs_az, freqs_po]).reshape(1, 128))
    e = e_flat.reshape(B, M, M, EMBD)

    pad = 128 - (MAX_Z + 1)
    emb_pad = jnp.pad(emb_table, ((0, pad), (0, 0)))
    ec_pad = jnp.pad(electron_config, ((0, pad), (0, 0)))
    t2 = pl.pallas_call(
        _h_table_kernel,
        grid=(1,),
        in_specs=[
            full((128, EMBD)), full((128, 20)), full((20, EMBD)),
            full((1, EMBD)), full((B, 1)), full((B, 1)),
            full((OFF, EMBD)), full((OFF, EMBD)),
        ],
        out_specs=pl.BlockSpec((128, EMBD), lambda g: (0, 0)),
        out_shape=jax.ShapeDtypeStruct((128, EMBD), f32),
    )(emb_pad, ec_pad, cfg_W.T, cfg_b.reshape(1, EMBD), multiplicity,
      charge, mult_table, charge_table)
    cls_ids = MAX_Z + 1 + jnp.arange(B, dtype=jnp.int32)[:, None]
    az_idx = jnp.concatenate([cls_ids, atomic_numbers], axis=1)
    h = _sc_gather(t2, az_idx.reshape(B * M)).reshape(B, M, EMBD)
    return (h, e, msk)

# --- scband reference (transcript-rebuilt; emitter-appended) ---
"""Pipeline reference for scband-pair-embedding-56796647522332 (READ-ONLY COPY).

The authoritative reference and input builder live on the scoring server;
editing this copy changes nothing except your own understanding.
"""

import jax, jax.numpy as jnp
import numpy as np
import math

B, N = 8, 255
EMBD = 128
K3D = 128
MAX_Z = 101
OFF = 128

def _freqs(max_angle, n):
    min_angle = 1e-4
    wl = jnp.exp(jnp.linspace(math.log(2 * min_angle), math.log(2 * max_angle), n))
    return (2 * math.pi / wl).astype(jnp.float32)

def setup_inputs(seed: int = 0):
    key = jax.random.key(seed)
    ks = jax.random.split(key, 20)
    positions = jax.random.normal(ks[0], (B, N, 3), dtype=jnp.float32) * 3.0
    atomic_numbers = jax.random.randint(ks[1], (B, N), 0, 100, dtype=jnp.int32)
    mask = jnp.ones((B, N), dtype=bool)
    multiplicity = jax.random.randint(ks[2], (B, 1), 0, 10, dtype=jnp.int32)
    charge = jax.random.randint(ks[3], (B, 1), 0, 10, dtype=jnp.int32)
    ec = jax.random.uniform(ks[4], (MAX_Z + 1, 20), dtype=jnp.float32) + 1e-3
    electron_config = ec / jnp.max(ec, axis=0, keepdims=True)
    emb_table = jax.random.normal(ks[5], (MAX_Z + 1, EMBD), dtype=jnp.float32) * 0.02
    cfg_W = jax.random.normal(ks[6], (EMBD, 20), dtype=jnp.float32) * 0.1
    cfg_b = jnp.zeros((EMBD,), dtype=jnp.float32)
    mult_table = jax.random.normal(ks[7], (OFF, EMBD), dtype=jnp.float32) * 0.02
    charge_table = jax.random.normal(ks[8], (OFF, EMBD), dtype=jnp.float32) * 0.02
    means = jax.random.uniform(ks[9], (K3D,), minval=0.0, maxval=7.0, dtype=jnp.float32)
    stds = jax.random.uniform(ks[10], (K3D,), minval=0.0, maxval=3.0, dtype=jnp.float32)
    mul_w = jnp.ones((2 * OFF + 1, 1), dtype=jnp.float32)
    bias_w = jnp.zeros((2 * OFF + 1, 1), dtype=jnp.float32)
    l1_W = jax.random.normal(ks[11], (K3D, K3D), dtype=jnp.float32) * 0.05
    l1_b = jnp.zeros((K3D,), dtype=jnp.float32)
    l2_W = jax.random.normal(ks[12], (EMBD, K3D), dtype=jnp.float32) * 0.05
    l2_b = jnp.zeros((EMBD,), dtype=jnp.float32)
    freqs_az = _freqs(2 * math.pi, 64)
    freqs_po = _freqs(math.pi, 64)
    proj_W = jax.random.normal(ks[13], (EMBD, 256), dtype=jnp.float32) * 0.05
    proj_b = jnp.zeros((EMBD,), dtype=jnp.float32)
    return {"positions": positions, "atomic_numbers": atomic_numbers, "mask": mask, "multiplicity": multiplicity, "charge": charge, "emb_table": emb_table, "electron_config": electron_config, "cfg_W": cfg_W, "cfg_b": cfg_b, "mult_table": mult_table, "charge_table": charge_table, "means": means, "stds": stds, "mul_w": mul_w, "bias_w": bias_w, "l1_W": l1_W, "l1_b": l1_b, "l2_W": l2_W, "l2_b": l2_b, "freqs_az": freqs_az, "freqs_po": freqs_po, "proj_W": proj_W, "proj_b": proj_b}

def reference(positions, atomic_numbers, mask, multiplicity, charge, emb_table, electron_config, cfg_W, cfg_b, mult_table, charge_table, means, stds, mul_w, bias_w, l1_W, l1_b, l2_W, l2_b, freqs_az, freqs_po, proj_W, proj_b):
    # add_graph_level_token (cls_token=True)
    pos = jnp.concatenate([jnp.zeros_like(positions[:, :1]), positions], axis=1)
    az = jnp.concatenate([jnp.full_like(atomic_numbers[:, :1], 101), atomic_numbers], axis=1)
    msk = jnp.concatenate([jnp.ones_like(mask[:, :1]), mask], axis=1)
    # NuclearEmbedding: table gather + electron-config linear, zero CLS electronic part
    elec = electron_config[az] @ cfg_W.T + cfg_b
    elec = elec.at[:, 0, :].set(0.0)
    h = emb_table[az] + elec
    # multiplicity / charge embeddings added to CLS token
    g = mult_table[multiplicity] + charge_table[charge + OFF // 2]
    h = h.at[:, 0].add(jnp.squeeze(g, 1))
    # pairwise distances and directions
    diff = pos[:, None, :, :] - pos[:, :, None, :]  # [B,M,M,3], diff[b,i,j]=pos[j]-pos[i]
    D = jnp.sqrt(jnp.sum(diff * diff, axis=-1) + 1e-12)
    nd = diff / (jnp.linalg.norm(diff, axis=-1, keepdims=True) + 1e-5)
    azm = jnp.arctan2(nd[..., 1], nd[..., 0])
    pol = jnp.arccos(jnp.clip(nd[..., 2], -1.0, 1.0))
    # GaussianLayer with edge_types = zeros (gathers from mul/bias embedding tables)
    et = jnp.zeros(D.shape, dtype=jnp.int32)[..., None]
    mulv = jnp.sum(mul_w[et], axis=-2)
    biasv = jnp.sum(bias_w[et], axis=-2)
    x = mulv * D[..., None] + biasv
    x = jnp.broadcast_to(x, x.shape[:-1] + (K3D,))
    std = jnp.abs(stds.reshape(-1)) + 0.01
    a = (2 * 3.14159) ** 0.5
    gk = jnp.exp(-0.5 * ((x - means.reshape(-1)) / std) ** 2) / (a * std)
    # NonLinear projection (gbf_proj)
    hid = jax.nn.gelu(gk @ l1_W.T + l1_b, approximate=False)
    e = hid @ l2_W.T + l2_b
    # FourierDirectionalEmbed
    ph_a = azm[..., None] * freqs_az
    ph_p = pol[..., None] * freqs_po
    sinu = jnp.concatenate([jnp.sin(ph_a), jnp.cos(ph_a), jnp.sin(ph_p), jnp.cos(ph_p)], axis=-1)
    e = e + sinu @ proj_W.T + proj_b
    return (h, e, msk)

if __name__ == "__main__":
    import jax
    _d = setup_inputs()
    print(jax.jit(kernel)(*tuple(_d.values())))

</pallas_src>

<mosaic_0001>
#map = affine_map<(d0, d1) -> (0, 0)>
module attributes {stable_mosaic.version = 14 : i64} {
  func.func @k(%arg0: i32, %arg1: i32, %arg2: memref<128x128xf32, #tpu.memory_space<hbm>>, %arg3: memref<1x2048xi32, #tpu.memory_space<hbm>>, %arg4: memref<2048x128xf32, #tpu.memory_space<hbm>>) attributes {dimension_semantics = [#tpu.dimension_semantics<core_parallel>, #tpu.dimension_semantics<subcore_parallel>], iteration_bounds = array<i64: 2, 16>, scalar_prefetch = 0 : i64, scratch_operands = 0 : i64, tpu.core_type = #tpu.core_type<sc_vector_subcore>, window_params = [{transform_indices = #map}, {transform_indices = #map}, {transform_indices = #map}]} {
    %mul3A = arith.constant 1 : i32
    %mul3A_0 = arith.muli %arg1, %mul3A : i32
    "tpu.region"() ({
      %run_scoped3A = memref.alloca() : memref<2x1x128xi32, #tpu.memory_space<vmem>>
      %run_scoped3A_1 = tpu.sem_alloc : memref<2x!tpu.dma_semaphore, #tpu.memory_space<semaphore_mem>>
      %run_scoped3A_2 = memref.alloca() : memref<2x128x128xf32, #tpu.memory_space<vmem>>
      %run_scoped3A_3 = tpu.sem_alloc : memref<2x!tpu.dma_semaphore, #tpu.memory_space<semaphore_mem>>
      %add3A = arith.constant 0 : i32
      %add3A_4 = arith.addi %add3A, %mul3A_0 : i32
      %select_n3A = arith.constant true
      %select_n3A_5 = arith.constant 0 : i32
      %select_n3A_6 = arith.constant -1 : i32
      %select_n3A_7 = arith.select %select_n3A, %select_n3A_6, %select_n3A_5 : i32
      %eq3A = arith.constant -1 : i32
      %eq3A_8 = arith.cmpi eq, %select_n3A_7, %eq3A : i32
      %select_n3A_9 = arith.constant 0 : i32
      %select_n3A_10 = arith.select %eq3A_8, %select_n3A_9, %select_n3A_7 : i32
      %add3A_11 = arith.constant 0 : i32
      %add3A_12 = arith.addi %add3A_11, %mul3A_0 : i32
      %select_n3A_13 = arith.constant true
      %select_n3A_14 = arith.constant 0 : i32
      %select_n3A_15 = arith.constant 1 : i32
      %select_n3A_16 = arith.select %select_n3A_13, %select_n3A_15, %select_n3A_14 : i32
      %eq3A_17 = arith.constant 1 : i32
      %eq3A_18 = arith.cmpi eq, %select_n3A_16, %eq3A_17 : i32
      %select_n3A_19 = arith.constant 0 : i32
      %select_n3A_20 = arith.select %eq3A_18, %select_n3A_19, %select_n3A_16 : i32
      %add3A_21 = arith.constant 0 : i32
      %add3A_22 = arith.addi %add3A_21, %mul3A_0 : i32
      %select_n3A_23 = arith.constant true
      %select_n3A_24 = arith.constant 0 : i32
      %select_n3A_25 = arith.constant 1 : i32
      %select_n3A_26 = arith.select %select_n3A_23, %select_n3A_25, %select_n3A_24 : i32
      %eq3A_27 = arith.constant 1 : i32
      %eq3A_28 = arith.cmpi eq, %select_n3A_26, %eq3A_27 : i32
      %select_n3A_29 = arith.constant 0 : i32
      %select_n3A_30 = arith.select %eq3A_28, %select_n3A_29, %select_n3A_26 : i32
      %add3A_31 = arith.constant 0 : i32
      %add3A_32 = arith.addi %add3A_31, %mul3A_0 : i32
      "tpu.trace_start"() <{level = 10 : i32, message = "ep_initialize_0"}> : () -> ()
      %rem3A = arith.constant 0 : i32
      %rem3A_33 = arith.constant 2 : i32
      %rem3A_34 = arith.remui %rem3A, %rem3A_33 : i32
      %mul3A_35 = arith.constant 128 : i32
      %mul3A_36 = arith.muli %mul3A_35, %add3A_4 : i32
      %dma_start3A = arith.constant 0 : i32
      %dma_start3A_37 = arith.constant 0 : i32
      %dma_start3A_38 = tpu.memref_slice %run_scoped3A[%rem3A_34, %dma_start3A, %dma_start3A_37] : memref<2x1x128xi32, #tpu.memory_space<vmem>> -> memref<1x1x128xi32, #tpu.memory_space<vmem>>
      %dma_start3A_39 = tpu.memref_squeeze %dma_start3A_38 : memref<1x1x128xi32, #tpu.memory_space<vmem>> -> memref<1x128xi32, #tpu.memory_space<vmem>>
      %dma_start3A_40 = arith.constant 0 : i32
      %dma_start3A_41 = tpu.memref_slice %arg3[%dma_start3A_40, %mul3A_36] : memref<1x2048xi32, #tpu.memory_space<hbm>> -> memref<1x128xi32, #tpu.memory_space<hbm>>
      %dma_start3A_42 = tpu.memref_slice %run_scoped3A_1[%rem3A_34] : memref<2x!tpu.dma_semaphore, #tpu.memory_space<semaphore_mem>> -> memref<1x!tpu.dma_semaphore, #tpu.memory_space<semaphore_mem>>
      %dma_start3A_43 = tpu.memref_squeeze %dma_start3A_42 : memref<1x!tpu.dma_semaphore, #tpu.memory_space<semaphore_mem>> -> memref<!tpu.dma_semaphore, #tpu.memory_space<semaphore_mem>>
      %dma_start3A_44 = arith.constant 0 : i32
      %dma_start3A_45 = arith.constant 0 : i32
      %dma_start3A_46 = tpu.memref_slice %run_scoped3A[%rem3A_34, %dma_start3A_44, %dma_start3A_45] : memref<2x1x128xi32, #tpu.memory_space<vmem>> -> memref<1x1x128xi32, #tpu.memory_space<vmem>>
      %dma_start3A_47 = tpu.memref_squeeze %dma_start3A_46 : memref<1x1x128xi32, #tpu.memory_space<vmem>> -> memref<1x128xi32, #tpu.memory_space<vmem>>
      %dma_start3A_48 = arith.constant 0 : i32
      %dma_start3A_49 = tpu.memref_slice %arg3[%dma_start3A_48, %mul3A_36] : memref<1x2048xi32, #tpu.memory_space<hbm>> -> memref<1x128xi32, #tpu.memory_space<hbm>>
      tpu.enqueue_dma source(%dma_start3A_49 : memref<1x128xi32, #tpu.memory_space<hbm>>) target(%dma_start3A_47 : memref<1x128xi32, #tpu.memory_space<vmem>>) target_semaphore(%dma_start3A_43 : memref<!tpu.dma_semaphore, #tpu.memory_space<semaphore_mem>>)
      %add3A_50 = arith.constant 0 : i32
      %add3A_51 = arith.constant 1 : i32
      %add3A_52 = arith.addi %add3A_50, %add3A_51 : i32
      %select_n3A_53 = arith.constant true
      %select_n3A_54 = arith.constant 0 : i32
      %select_n3A_55 = arith.select %select_n3A_53, %add3A_52, %select_n3A_54 : i32
      "tpu.trace_stop"() : () -> ()
      %scan3A = arith.constant 0 : i32
      %scan3A_56 = arith.constant 0 : i32
      %scan3A_57 = arith.constant 0 : i32
      %scan3A_58 = arith.constant 0 : i32
      %scan3A_59 = arith.constant 0 : i32
      %eq3A_60 = arith.constant 0 : i32
      %eq3A_61 = arith.cmpi eq, %scan3A_59, %eq3A_60 : i32
      %eq3A_62 = arith.constant 0 : i32
      %eq3A_63 = arith.cmpi eq, %scan3A_59, %eq3A_62 : i32
      %add3A_64 = arith.constant 0 : i32
      %add3A_65 = arith.addi %add3A_64, %mul3A_0 : i32
      %select_n3A_66 = arith.constant true
      %select_n3A_67 = arith.constant 0 : i32
      %select_n3A_68 = arith.constant -1 : i32
      %select_n3A_69 = arith.select %select_n3A_66, %select_n3A_68, %select_n3A_67 : i32
      %eq3A_70 = arith.constant -1 : i32
      %eq3A_71 = arith.cmpi eq, %select_n3A_69, %eq3A_70 : i32
      %select_n3A_72 = arith.constant 0 : i32
      %select_n3A_73 = arith.select %eq3A_71, %select_n3A_72, %select_n3A_69 : i32
      %add3A_74 = arith.constant 0 : i32
      %add3A_75 = arith.addi %add3A_74, %mul3A_0 : i32
      %select_n3A_76 = arith.constant true
      %select_n3A_77 = arith.constant 0 : i32
      %select_n3A_78 = arith.constant 1 : i32
      %select_n3A_79 = arith.select %select_n3A_76, %select_n3A_78, %select_n3A_77 : i32
      %eq3A_80 = arith.constant 1 : i32
      %eq3A_81 = arith.cmpi eq, %select_n3A_79, %eq3A_80 : i32
      %select_n3A_82 = arith.constant 0 : i32
      %select_n3A_83 = arith.select %eq3A_81, %select_n3A_82, %select_n3A_79 : i32
      %add3A_84 = arith.constant 0 : i32
      %add3A_85 = arith.addi %add3A_84, %mul3A_0 : i32
      %select_n3A_86 = arith.constant true
      %select_n3A_87 = arith.constant 0 : i32
      %select_n3A_88 = arith.constant 1 : i32
      %select_n3A_89 = arith.select %select_n3A_86, %select_n3A_88, %select_n3A_87 : i32
      %eq3A_90 = arith.constant 1 : i32
      %eq3A_91 = arith.cmpi eq, %select_n3A_89, %eq3A_90 : i32
      %select_n3A_92 = arith.constant 0 : i32
      %select_n3A_93 = arith.select %eq3A_91, %select_n3A_92, %select_n3A_89 : i32
      %add3A_94 = arith.constant 0 : i32
      %add3A_95 = arith.addi %add3A_94, %mul3A_0 : i32
      %ne3A = arith.cmpi ne, %add3A_65, %add3A_85 : i32
      %or3A = arith.constant false
      %or3A_96 = arith.ori %or3A, %ne3A : i1
      %ge3A = arith.constant 0 : i32
      %ge3A_97 = arith.cmpi sge, %scan3A_59, %ge3A : i32
      %not3A = arith.constant true
      %not3A_98 = arith.xori %ge3A_97, %not3A : i1
      %and3A = arith.andi %or3A_96, %not3A_98 : i1
      %convert_element_type3A = arith.extui %and3A : i1 to i32
      %cond3A = arith.constant 0 : i32
      %cond3A_99 = arith.cmpi ne, %convert_element_type3A, %cond3A : i32
      scf.if %cond3A_99 {
        "tpu.trace_start"() <{level = 10 : i32, message = "ep_copy_in"}> : () -> ()
        %rem3A_259 = arith.constant 2 : i32
        %rem3A_260 = arith.remui %select_n3A_55, %rem3A_259 : i32
        %mul3A_261 = arith.constant 128 : i32
        %mul3A_262 = arith.muli %mul3A_261, %add3A_85 : i32
        %dma_start3A_263 = arith.constant 0 : i32
        %dma_start3A_264 = arith.constant 0 : i32
        %dma_start3A_265 = tpu.memref_slice %run_scoped3A[%rem3A_260, %dma_start3A_263, %dma_start3A_264] : memref<2x1x128xi32, #tpu.memory_space<vmem>> -> memref<1x1x128xi32, #tpu.memory_space<vmem>>
        %dma_start3A_266 = tpu.memref_squeeze %dma_start3A_265 : memref<1x1x128xi32, #tpu.memory_space<vmem>> -> memref<1x128xi32, #tpu.memory_space<vmem>>
        %dma_start3A_267 = arith.constant 0 : i32
        %dma_start3A_268 = tpu.memref_slice %arg3[%dma_start3A_267, %mul3A_262] : memref<1x2048xi32, #tpu.memory_space<hbm>> -> memref<1x128xi32, #tpu.memory_space<hbm>>
        %dma_start3A_269 = tpu.memref_slice %run_scoped3A_1[%rem3A_260] : memref<2x!tpu.dma_semaphore, #tpu.memory_space<semaphore_mem>> -> memref<1x!tpu.dma_semaphore, #tpu.memory_space<semaphore_mem>>
        %dma_start3A_270 = tpu.memref_squeeze %dma_start3A_269 : memref<1x!tpu.dma_semaphore, #tpu.memory_space<semaphore_mem>> -> memref<!tpu.dma_semaphore, #tpu.memory_space<semaphore_mem>>
        %dma_start3A_271 = arith.constant 0 : i32
        %dma_start3A_272 = arith.constant 0 : i32
        %dma_start3A_273 = tpu.memref_slice %run_scoped3A[%rem3A_260, %dma_start3A_271, %dma_start3A_272] : memref<2x1x128xi32, #tpu.memory_space<vmem>> -> memref<1x1x128xi32, #tpu.memory_space<vmem>>
        %dma_start3A_274 = tpu.memref_squeeze %dma_start3A_273 : memref<1x1x128xi32, #tpu.memory_space<vmem>> -> memref<1x128xi32, #tpu.memory_space<vmem>>
        %dma_start3A_275 = arith.constant 0 : i32
        %dma_start3A_276 = tpu.memref_slice %arg3[%dma_start3A_275, %mul3A_262] : memref<1x2048xi32, #tpu.memory_space<hbm>> -> memref<1x128xi32, #tpu.memory_space<hbm>>
        tpu.enqueue_dma source(%dma_start3A_276 : memref<1x128xi32, #tpu.memory_space<hbm>>) target(%dma_start3A_274 : memref<1x128xi32, #tpu.memory_space<vmem>>) target_semaphore(%dma_start3A_270 : memref<!tpu.dma_semaphore, #tpu.memory_space<semaphore_mem>>)
        "tpu.trace_stop"() : () -> ()
      } else {
      }
      %and3A_100 = arith.constant true
      %and3A_101 = arith.andi %and3A, %and3A_100 : i1
      %add3A_102 = arith.constant 1 : i32
      %add3A_103 = arith.addi %select_n3A_55, %add3A_102 : i32
      %select_n3A_104 = arith.select %and3A_101, %add3A_103, %select_n3A_55 : i32
      %ne3A_105 = arith.cmpi ne, %add3A_65, %add3A_85 : i32
      %or3A_106 = arith.constant false
      %or3A_107 = arith.ori %or3A_106, %ne3A_105 : i1
      %or3A_108 = arith.constant false
      %or3A_109 = arith.ori %or3A_107, %or3A_108 : i1
      %ge3A_110 = arith.constant 0 : i32
      %ge3A_111 = arith.cmpi sge, %scan3A_59, %ge3A_110 : i32
      %not3A_112 = arith.constant true
      %not3A_113 = arith.xori %ge3A_111, %not3A_112 : i1
      %and3A_114 = arith.andi %or3A_109, %not3A_113 : i1
      %ne3A_115 = arith.cmpi ne, %add3A_65, %add3A_75 : i32
      %or3A_116 = arith.constant false
      %or3A_117 = arith.ori %or3A_116, %ne3A_115 : i1
      %or3A_118 = arith.ori %or3A_117, %eq3A_61 : i1
      %convert_element_type3A_119 = arith.extui %or3A_118 : i1 to i32
      %cond3A_120 = arith.constant 0 : i32
      %cond3A_121 = arith.cmpi ne, %convert_element_type3A_119, %cond3A_120 : i32
      scf.if %cond3A_121 {
        "tpu.trace_start"() <{level = 10 : i32, message = "ep_wait_in"}> : () -> ()
        %mul3A_259 = arith.constant 128 : i32
        %mul3A_260 = arith.muli %mul3A_259, %add3A_65 : i32
        %rem3A_261 = arith.constant 2 : i32
        %rem3A_262 = arith.remui %scan3A, %rem3A_261 : i32
        %dma_wait3A_263 = arith.constant 0 : i32
        %dma_wait3A_264 = arith.constant 0 : i32
        %dma_wait3A_265 = tpu.memref_slice %run_scoped3A[%rem3A_262, %dma_wait3A_263, %dma_wait3A_264] : memref<2x1x128xi32, #tpu.memory_space<vmem>> -> memref<1x1x128xi32, #tpu.memory_space<vmem>>
        %dma_wait3A_266 = tpu.memref_squeeze %dma_wait3A_265 : memref<1x1x128xi32, #tpu.memory_space<vmem>> -> memref<1x128xi32, #tpu.memory_space<vmem>>
        %dma_wait3A_267 = arith.constant 0 : i32
        %dma_wait3A_268 = tpu.memref_slice %arg3[%dma_wait3A_267, %mul3A_260] : memref<1x2048xi32, #tpu.memory_space<hbm>> -> memref<1x128xi32, #tpu.memory_space<hbm>>
        %dma_wait3A_269 = tpu.memref_slice %run_scoped3A_1[%rem3A_262] : memref<2x!tpu.dma_semaphore, #tpu.memory_space<semaphore_mem>> -> memref<1x!tpu.dma_semaphore, #tpu.memory_space<semaphore_mem>>
        %dma_wait3A_270 = tpu.memref_squeeze %dma_wait3A_269 : memref<1x!tpu.dma_semaphore, #tpu.memory_space<semaphore_mem>> -> memref<!tpu.dma_semaphore, #tpu.memory_space<semaphore_mem>>
        %dma_wait3A_271 = arith.constant 0 : i32
        %dma_wait3A_272 = arith.constant 0 : i32
        %dma_wait3A_273 = tpu.memref_slice %run_scoped3A[%rem3A_262, %dma_wait3A_271, %dma_wait3A_272] : memref<2x1x128xi32, #tpu.memory_space<vmem>> -> memref<1x1x128xi32, #tpu.memory_space<vmem>>
        %dma_wait3A_274 = tpu.memref_squeeze %dma_wait3A_273 : memref<1x1x128xi32, #tpu.memory_space<vmem>> -> memref<1x128xi32, #tpu.memory_space<vmem>>
        %dma_wait3A_275 = arith.constant 0 : i32
        %dma_wait3A_276 = tpu.memref_slice %arg3[%dma_wait3A_275, %mul3A_260] : memref<1x2048xi32, #tpu.memory_space<hbm>> -> memref<1x128xi32, #tpu.memory_space<hbm>>
        tpu.wait_dma2 semaphore(%dma_wait3A_270 : memref<!tpu.dma_semaphore, #tpu.memory_space<semaphore_mem>>) src(%dma_wait3A_276 : memref<1x128xi32, #tpu.memory_space<hbm>>) dst(%dma_wait3A_274 : memref<1x128xi32, #tpu.memory_space<vmem>>)
        "tpu.trace_stop"() : () -> ()
      } else {
      }
      %ne3A_122 = arith.cmpi ne, %add3A_65, %add3A_75 : i32
      %or3A_123 = arith.constant false
      %or3A_124 = arith.ori %or3A_123, %ne3A_122 : i1
      %or3A_125 = arith.constant false
      %or3A_126 = arith.ori %or3A_124, %or3A_125 : i1
      %or3A_127 = arith.ori %or3A_126, %eq3A_61 : i1
      %convert_element_type3A_128 = arith.extui %or3A_127 : i1 to i32
      %cond3A_129 = arith.constant 0 : i32
      %cond3A_130 = arith.cmpi ne, %convert_element_type3A_128, %cond3A_129 : i32
      scf.if %cond3A_130 {
      } else {
      }
      %rem3A_131 = arith.constant 2 : i32
      %rem3A_132 = arith.remui %scan3A, %rem3A_131 : i32
      %rem3A_133 = arith.constant 2 : i32
      %rem3A_134 = arith.remui %scan3A_56, %rem3A_133 : i32
      %run_scoped3A_135 = arith.constant 0 : i32
      "tpu.trace_start"() <{level = 10 : i32, message = "ep_run_kernel"}> : () -> ()
      "tpu.region"() ({
        %run_scoped3A_259 = tpu.sem_alloc : memref<!tpu.dma_semaphore, #tpu.memory_space<semaphore_mem>>
        %dma_start3A_260 = arith.constant 0 : i32
        %dma_start3A_261 = arith.constant 0 : i32
        %dma_start3A_262 = tpu.memref_slice %run_scoped3A_2[%rem3A_134, %dma_start3A_260, %dma_start3A_261] : memref<2x128x128xf32, #tpu.memory_space<vmem>> -> memref<1x128x128xf32, #tpu.memory_space<vmem>>
        %dma_start3A_263 = tpu.memref_squeeze %dma_start3A_262 : memref<1x128x128xf32, #tpu.memory_space<vmem>> -> memref<128x128xf32, #tpu.memory_space<vmem>>
        %dma_start3A_264 = arith.constant 0 : i32
        %dma_start3A_265 = arith.constant 0 : i32
        %dma_start3A_266 = tpu.memref_slice %run_scoped3A[%rem3A_132, %dma_start3A_264, %dma_start3A_265] : memref<2x1x128xi32, #tpu.memory_space<vmem>> -> memref<1x1x128xi32, #tpu.memory_space<vmem>>
        %dma_start3A_267 = tpu.memref_squeeze %dma_start3A_266 : memref<1x1x128xi32, #tpu.memory_space<vmem>> -> memref<1x128xi32, #tpu.memory_space<vmem>>
        %dma_start3A_268 = arith.constant 0 : i32
        %dma_start3A_269 = tpu.memref_slice %dma_start3A_267[%run_scoped3A_135, %dma_start3A_268] : memref<1x128xi32, #tpu.memory_space<vmem>> -> memref<1x128xi32, #tpu.memory_space<vmem>>
        %dma_start3A_270 = tpu.memref_squeeze %dma_start3A_269 : memref<1x128xi32, #tpu.memory_space<vmem>> -> memref<128xi32, #tpu.memory_space<vmem>>
        %dma_start3A_271 = arith.constant 0 : i32
        %dma_start3A_272 = arith.constant 0 : i32
        %dma_start3A_273 = tpu.memref_slice %arg2[%dma_start3A_271, %dma_start3A_272] : memref<128x128xf32, #tpu.memory_space<hbm>> -> memref<128x128xf32, #tpu.memory_space<hbm>>
        tpu.enqueue_indirect_dma source(%dma_start3A_273 : memref<128x128xf32, #tpu.memory_space<hbm>>) target(%dma_start3A_263 : memref<128x128xf32, #tpu.memory_space<vmem>>) offsets(%dma_start3A_270 : memref<128xi32, #tpu.memory_space<vmem>>) semaphore(%run_scoped3A_259 : memref<!tpu.dma_semaphore, #tpu.memory_space<semaphore_mem>>)
        %dma_wait3A_274 = arith.constant 0 : i32
        %dma_wait3A_275 = arith.constant 0 : i32
        %dma_wait3A_276 = tpu.memref_slice %run_scoped3A_2[%rem3A_134, %dma_wait3A_274, %dma_wait3A_275] : memref<2x128x128xf32, #tpu.memory_space<vmem>> -> memref<1x128x128xf32, #tpu.memory_space<vmem>>
        %dma_wait3A_277 = tpu.memref_squeeze %dma_wait3A_276 : memref<1x128x128xf32, #tpu.memory_space<vmem>> -> memref<128x128xf32, #tpu.memory_space<vmem>>
        %dma_wait3A_278 = arith.constant 0 : i32
        %dma_wait3A_279 = arith.constant 0 : i32
        %dma_wait3A_280 = tpu.memref_slice %run_scoped3A[%rem3A_132, %dma_wait3A_278, %dma_wait3A_279] : memref<2x1x128xi32, #tpu.memory_space<vmem>> -> memref<1x1x128xi32, #tpu.memory_space<vmem>>
        %dma_wait3A_281 = tpu.memref_squeeze %dma_wait3A_280 : memref<1x1x128xi32, #tpu.memory_space<vmem>> -> memref<1x128xi32, #tpu.memory_space<vmem>>
        %dma_wait3A_282 = arith.constant 0 : i32
        %dma_wait3A_283 = tpu.memref_slice %dma_wait3A_281[%run_scoped3A_135, %dma_wait3A_282] : memref<1x128xi32, #tpu.memory_space<vmem>> -> memref<1x128xi32, #tpu.memory_space<vmem>>
        %dma_wait3A_284 = tpu.memref_squeeze %dma_wait3A_283 : memref<1x128xi32, #tpu.memory_space<vmem>> -> memref<128xi32, #tpu.memory_space<vmem>>
        %dma_wait3A_285 = arith.constant 0 : i32
        %dma_wait3A_286 = arith.constant 0 : i32
        %dma_wait3A_287 = tpu.memref_slice %arg2[%dma_wait3A_285, %dma_wait3A_286] : memref<128x128xf32, #tpu.memory_space<hbm>> -> memref<128x128xf32, #tpu.memory_space<hbm>>
        tpu.wait_indirect_dma semaphore(%run_scoped3A_259 : memref<!tpu.dma_semaphore, #tpu.memory_space<semaphore_mem>>) src(%dma_wait3A_287 : memref<128x128xf32, #tpu.memory_space<hbm>>) dst(%dma_wait3A_277 : memref<128x128xf32, #tpu.memory_space<vmem>>)
        tpu.yield
      }) : () -> ()
      "tpu.trace_stop"() : () -> ()
      %ne3A_136 = arith.cmpi ne, %add3A_65, %add3A_85 : i32
      %or3A_137 = arith.constant false
      %or3A_138 = arith.ori %or3A_137, %ne3A_136 : i1
      %or3A_139 = arith.ori %or3A_138, %eq3A_63 : i1
      %convert_element_type3A_140 = arith.extui %or3A_139 : i1 to i32
      %cond3A_141 = arith.constant 0 : i32
      %cond3A_142 = arith.cmpi ne, %convert_element_type3A_140, %cond3A_141 : i32
      scf.if %cond3A_142 {
      } else {
      }
      %and3A_143 = arith.constant false
      %and3A_144 = arith.andi %or3A_139, %and3A_143 : i1
      %ne3A_145 = arith.cmpi ne, %add3A_65, %add3A_85 : i32
      %or3A_146 = arith.constant false
      %or3A_147 = arith.ori %or3A_146, %ne3A_145 : i1
      %or3A_148 = arith.constant false
      %or3A_149 = arith.ori %or3A_147, %or3A_148 : i1
      %or3A_150 = arith.ori %or3A_149, %eq3A_63 : i1
      %convert_element_type3A_151 = arith.extui %or3A_150 : i1 to i32
      %cond3A_152 = arith.constant 0 : i32
      %cond3A_153 = arith.cmpi ne, %convert_element_type3A_151, %cond3A_152 : i32
      scf.if %cond3A_153 {
        "tpu.trace_start"() <{level = 10 : i32, message = "ep_copy_out"}> : () -> ()
        %rem3A_259 = arith.constant 2 : i32
        %rem3A_260 = arith.remui %scan3A_56, %rem3A_259 : i32
        %mul3A_261 = arith.constant 128 : i32
        %mul3A_262 = arith.muli %mul3A_261, %add3A_65 : i32
        %dma_start3A_263 = arith.constant 0 : i32
        %dma_start3A_264 = arith.constant 0 : i32
        %dma_start3A_265 = tpu.memref_slice %run_scoped3A_2[%rem3A_260, %dma_start3A_263, %dma_start3A_264] : memref<2x128x128xf32, #tpu.memory_space<vmem>> -> memref<1x128x128xf32, #tpu.memory_space<vmem>>
        %dma_start3A_266 = tpu.memref_squeeze %dma_start3A_265 : memref<1x128x128xf32, #tpu.memory_space<vmem>> -> memref<128x128xf32, #tpu.memory_space<vmem>>
        %dma_start3A_267 = arith.constant 0 : i32
        %dma_start3A_268 = tpu.memref_slice %arg4[%mul3A_262, %dma_start3A_267] : memref<2048x128xf32, #tpu.memory_space<hbm>> -> memref<128x128xf32, #tpu.memory_space<hbm>>
        %dma_start3A_269 = tpu.memref_slice %run_scoped3A_3[%rem3A_260] : memref<2x!tpu.dma_semaphore, #tpu.memory_space<semaphore_mem>> -> memref<1x!tpu.dma_semaphore, #tpu.memory_space<semaphore_mem>>
        %dma_start3A_270 = tpu.memref_squeeze %dma_start3A_269 : memref<1x!tpu.dma_semaphore, #tpu.memory_space<semaphore_mem>> -> memref<!tpu.dma_semaphore, #tpu.memory_space<semaphore_mem>>
        %dma_start3A_271 = arith.constant 0 : i32
        %dma_start3A_272 = tpu.memref_slice %arg4[%mul3A_262, %dma_start3A_271] : memref<2048x128xf32, #tpu.memory_space<hbm>> -> memref<128x128xf32, #tpu.memory_space<hbm>>
        %dma_start3A_273 = arith.constant 0 : i32
        %dma_start3A_274 = arith.constant 0 : i32
        %dma_start3A_275 = tpu.memref_slice %run_scoped3A_2[%rem3A_260, %dma_start3A_273, %dma_start3A_274] : memref<2x128x128xf32, #tpu.memory_space<vmem>> -> memref<1x128x128xf32, #tpu.memory_space<vmem>>
        %dma_start3A_276 = tpu.memref_squeeze %dma_start3A_275 : memref<1x128x128xf32, #tpu.memory_space<vmem>> -> memref<128x128xf32, #tpu.memory_space<vmem>>
        tpu.enqueue_dma source(%dma_start3A_276 : memref<128x128xf32, #tpu.memory_space<vmem>>) target(%dma_start3A_272 : memref<128x128xf32, #tpu.memory_space<hbm>>) target_semaphore(%dma_start3A_270 : memref<!tpu.dma_semaphore, #tpu.memory_space<semaphore_mem>>)
        "tpu.trace_stop"() : () -> ()
      } else {
      }
      %and3A_154 = arith.constant true
      %and3A_155 = arith.andi %or3A_150, %and3A_154 : i1
      %add3A_156 = arith.constant 1 : i32
      %add3A_157 = arith.addi %scan3A_56, %add3A_156 : i32
      %select_n3A_158 = arith.select %and3A_155, %add3A_157, %scan3A_56 : i32
      %ne3A_159 = arith.cmpi ne, %add3A_65, %add3A_75 : i32
      %or3A_160 = arith.constant false
      %or3A_161 = arith.ori %or3A_160, %ne3A_159 : i1
      %not3A_162 = arith.constant true
      %not3A_163 = arith.xori %eq3A_61, %not3A_162 : i1
      %and3A_164 = arith.andi %or3A_161, %not3A_163 : i1
      %convert_element_type3A_165 = arith.extui %and3A_164 : i1 to i32
      %cond3A_166 = arith.constant 0 : i32
      %cond3A_167 = arith.cmpi ne, %convert_element_type3A_165, %cond3A_166 : i32
      scf.if %cond3A_167 {
      } else {
      }
      %and3A_168 = arith.constant false
      %and3A_169 = arith.andi %and3A_164, %and3A_168 : i1
      %ne3A_170 = arith.cmpi ne, %add3A_65, %add3A_75 : i32
      %or3A_171 = arith.constant false
      %or3A_172 = arith.ori %or3A_171, %ne3A_170 : i1
      %or3A_173 = arith.constant false
      %or3A_174 = arith.ori %or3A_172, %or3A_173 : i1
      %not3A_175 = arith.constant true
      %not3A_176 = arith.xori %eq3A_61, %not3A_175 : i1
      %and3A_177 = arith.andi %or3A_174, %not3A_176 : i1
      %convert_element_type3A_178 = arith.extui %and3A_177 : i1 to i32
      %cond3A_179 = arith.constant 0 : i32
      %cond3A_180 = arith.cmpi ne, %convert_element_type3A_178, %cond3A_179 : i32
      scf.if %cond3A_180 {
        "tpu.trace_start"() <{level = 10 : i32, message = "ep_wait_out"}> : () -> ()
        %rem3A_259 = arith.constant 2 : i32
        %rem3A_260 = arith.remui %scan3A_57, %rem3A_259 : i32
        %mul3A_261 = arith.constant 128 : i32
        %mul3A_262 = arith.muli %mul3A_261, %add3A_75 : i32
        %dma_wait3A_263 = arith.constant 0 : i32
        %dma_wait3A_264 = arith.constant 0 : i32
        %dma_wait3A_265 = tpu.memref_slice %run_scoped3A_2[%rem3A_260, %dma_wait3A_263, %dma_wait3A_264] : memref<2x128x128xf32, #tpu.memory_space<vmem>> -> memref<1x128x128xf32, #tpu.memory_space<vmem>>
        %dma_wait3A_266 = tpu.memref_squeeze %dma_wait3A_265 : memref<1x128x128xf32, #tpu.memory_space<vmem>> -> memref<128x128xf32, #tpu.memory_space<vmem>>
        %dma_wait3A_267 = arith.constant 0 : i32
        %dma_wait3A_268 = tpu.memref_slice %arg4[%mul3A_262, %dma_wait3A_267] : memref<2048x128xf32, #tpu.memory_space<hbm>> -> memref<128x128xf32, #tpu.memory_space<hbm>>
        %dma_wait3A_269 = tpu.memref_slice %run_scoped3A_3[%rem3A_260] : memref<2x!tpu.dma_semaphore, #tpu.memory_space<semaphore_mem>> -> memref<1x!tpu.dma_semaphore, #tpu.memory_space<semaphore_mem>>
        %dma_wait3A_270 = tpu.memref_squeeze %dma_wait3A_269 : memref<1x!tpu.dma_semaphore, #tpu.memory_space<semaphore_mem>> -> memref<!tpu.dma_semaphore, #tpu.memory_space<semaphore_mem>>
        %dma_wait3A_271 = arith.constant 0 : i32
        %dma_wait3A_272 = tpu.memref_slice %arg4[%mul3A_262, %dma_wait3A_271] : memref<2048x128xf32, #tpu.memory_space<hbm>> -> memref<128x128xf32, #tpu.memory_space<hbm>>
        %dma_wait3A_273 = arith.constant 0 : i32
        %dma_wait3A_274 = arith.constant 0 : i32
        %dma_wait3A_275 = tpu.memref_slice %run_scoped3A_2[%rem3A_260, %dma_wait3A_273, %dma_wait3A_274] : memref<2x128x128xf32, #tpu.memory_space<vmem>> -> memref<1x128x128xf32, #tpu.memory_space<vmem>>
        %dma_wait3A_276 = tpu.memref_squeeze %dma_wait3A_275 : memref<1x128x128xf32, #tpu.memory_space<vmem>> -> memref<128x128xf32, #tpu.memory_space<vmem>>
        tpu.wait_dma2 semaphore(%dma_wait3A_270 : memref<!tpu.dma_semaphore, #tpu.memory_space<semaphore_mem>>) src(%dma_wait3A_276 : memref<128x128xf32, #tpu.memory_space<vmem>>) dst(%dma_wait3A_272 : memref<128x128xf32, #tpu.memory_space<hbm>>)
        "tpu.trace_stop"() : () -> ()
      } else {
      }
      %and3A_181 = arith.constant true
      %and3A_182 = arith.andi %and3A_177, %and3A_181 : i1
      %add3A_183 = arith.constant 1 : i32
      %add3A_184 = arith.addi %scan3A_57, %add3A_183 : i32
      %select_n3A_185 = arith.select %and3A_182, %add3A_184, %scan3A_57 : i32
      %ne3A_186 = arith.cmpi ne, %add3A_65, %add3A_85 : i32
      %or3A_187 = arith.constant false
      %or3A_188 = arith.ori %or3A_187, %ne3A_186 : i1
      %or3A_189 = arith.ori %or3A_188, %eq3A_63 : i1
      %add3A_190 = arith.constant 1 : i32
      %add3A_191 = arith.addi %scan3A, %add3A_190 : i32
      %select_n3A_192 = arith.select %or3A_189, %add3A_191, %scan3A : i32
      %select_n3A_193 = arith.constant true
      %select_n3A_194 = arith.constant 0 : i32
      %select_n3A_195 = arith.constant 1 : i32
      %select_n3A_196 = arith.select %select_n3A_193, %select_n3A_195, %select_n3A_194 : i32
      %eq3A_197 = arith.constant 1 : i32
      %eq3A_198 = arith.cmpi eq, %select_n3A_196, %eq3A_197 : i32
      %select_n3A_199 = arith.constant 0 : i32
      %select_n3A_200 = arith.select %eq3A_198, %select_n3A_199, %select_n3A_196 : i32
      %scan3A_201 = arith.constant 0 : i32
      %scan3A_202 = arith.constant 1 : i32
      %sub3A = arith.constant 1 : i32
      %sub3A_203 = arith.subi %scan3A_201, %sub3A : i32
      %select_n3A_204 = arith.constant true
      %select_n3A_205 = arith.select %select_n3A_204, %sub3A_203, %scan3A_201 : i32
      %eq3A_206 = arith.constant -1 : i32
      %eq3A_207 = arith.cmpi eq, %select_n3A_205, %eq3A_206 : i32
      %select_n3A_208 = arith.constant 0 : i32
      %select_n3A_209 = arith.select %eq3A_207, %select_n3A_208, %select_n3A_205 : i32
      %add3A_210 = arith.constant 0 : i32
      %add3A_211 = arith.addi %add3A_210, %mul3A_0 : i32
      %select_n3A_212 = arith.constant true
      %select_n3A_213 = arith.constant 0 : i32
      %select_n3A_214 = arith.constant -1 : i32
      %select_n3A_215 = arith.select %select_n3A_212, %select_n3A_214, %select_n3A_213 : i32
      %eq3A_216 = arith.constant -1 : i32
      %eq3A_217 = arith.cmpi eq, %select_n3A_215, %eq3A_216 : i32
      %select_n3A_218 = arith.constant 0 : i32
      %select_n3A_219 = arith.select %eq3A_217, %select_n3A_218, %select_n3A_215 : i32
      %add3A_220 = arith.constant 0 : i32
      %add3A_221 = arith.addi %add3A_220, %mul3A_0 : i32
      %select_n3A_222 = arith.constant true
      %select_n3A_223 = arith.constant 0 : i32
      %select_n3A_224 = arith.constant 1 : i32
      %select_n3A_225 = arith.select %select_n3A_222, %select_n3A_224, %select_n3A_223 : i32
      %eq3A_226 = arith.constant 1 : i32
      %eq3A_227 = arith.cmpi eq, %select_n3A_225, %eq3A_226 : i32
      %select_n3A_228 = arith.constant 0 : i32
      %select_n3A_229 = arith.select %eq3A_227, %select_n3A_228, %select_n3A_225 : i32
      %add3A_230 = arith.constant 0 : i32
      %add3A_231 = arith.addi %add3A_230, %mul3A_0 : i32
      %select_n3A_232 = arith.constant true
      %select_n3A_233 = arith.constant 0 : i32
      %select_n3A_234 = arith.constant 1 : i32
      %select_n3A_235 = arith.select %select_n3A_232, %select_n3A_234, %select_n3A_233 : i32
      %eq3A_236 = arith.constant 1 : i32
      %eq3A_237 = arith.cmpi eq, %select_n3A_235, %eq3A_236 : i32
      %select_n3A_238 = arith.constant 0 : i32
      %select_n3A_239 = arith.select %eq3A_237, %select_n3A_238, %select_n3A_235 : i32
      %add3A_240 = arith.constant 0 : i32
      %add3A_241 = arith.addi %add3A_240, %mul3A_0 : i32
      "tpu.trace_start"() <{level = 10 : i32, message = "ep_finalize"}> : () -> ()
      %rem3A_242 = arith.constant 2 : i32
      %rem3A_243 = arith.remui %select_n3A_185, %rem3A_242 : i32
      %mul3A_244 = arith.constant 128 : i32
      %mul3A_245 = arith.muli %mul3A_244, %add3A_211 : i32
      %dma_wait3A = arith.constant 0 : i32
      %dma_wait3A_246 = arith.constant 0 : i32
      %dma_wait3A_247 = tpu.memref_slice %run_scoped3A_2[%rem3A_243, %dma_wait3A, %dma_wait3A_246] : memref<2x128x128xf32, #tpu.memory_space<vmem>> -> memref<1x128x128xf32, #tpu.memory_space<vmem>>
      %dma_wait3A_248 = tpu.memref_squeeze %dma_wait3A_247 : memref<1x128x128xf32, #tpu.memory_space<vmem>> -> memref<128x128xf32, #tpu.memory_space<vmem>>
      %dma_wait3A_249 = arith.constant 0 : i32
      %dma_wait3A_250 = tpu.memref_slice %arg4[%mul3A_245, %dma_wait3A_249] : memref<2048x128xf32, #tpu.memory_space<hbm>> -> memref<128x128xf32, #tpu.memory_space<hbm>>
      %dma_wait3A_251 = tpu.memref_slice %run_scoped3A_3[%rem3A_243] : memref<2x!tpu.dma_semaphore, #tpu.memory_space<semaphore_mem>> -> memref<1x!tpu.dma_semaphore, #tpu.memory_space<semaphore_mem>>
      %dma_wait3A_252 = tpu.memref_squeeze %dma_wait3A_251 : memref<1x!tpu.dma_semaphore, #tpu.memory_space<semaphore_mem>> -> memref<!tpu.dma_semaphore, #tpu.memory_space<semaphore_mem>>
      %dma_wait3A_253 = arith.constant 0 : i32
      %dma_wait3A_254 = tpu.memref_slice %arg4[%mul3A_245, %dma_wait3A_253] : memref<2048x128xf32, #tpu.memory_space<hbm>> -> memref<128x128xf32, #tpu.memory_space<hbm>>
      %dma_wait3A_255 = arith.constant 0 : i32
      %dma_wait3A_256 = arith.constant 0 : i32
      %dma_wait3A_257 = tpu.memref_slice %run_scoped3A_2[%rem3A_243, %dma_wait3A_255, %dma_wait3A_256] : memref<2x128x128xf32, #tpu.memory_space<vmem>> -> memref<1x128x128xf32, #tpu.memory_space<vmem>>
      %dma_wait3A_258 = tpu.memref_squeeze %dma_wait3A_257 : memref<1x128x128xf32, #tpu.memory_space<vmem>> -> memref<128x128xf32, #tpu.memory_space<vmem>>
      tpu.wait_dma2 semaphore(%dma_wait3A_252 : memref<!tpu.dma_semaphore, #tpu.memory_space<semaphore_mem>>) src(%dma_wait3A_258 : memref<128x128xf32, #tpu.memory_space<vmem>>) dst(%dma_wait3A_254 : memref<128x128xf32, #tpu.memory_space<hbm>>)
      "tpu.trace_stop"() : () -> ()
      tpu.yield
    }) : () -> ()
    return
  }
}

module attributes {stable_mosaic.version = 14 : i64} {
  func.func @_h_table_kernel(%arg0: i32, %arg1: memref<128x128xf32, #tpu.memory_space<vmem>>, %arg2: memref<128x20xf32, #tpu.memory_space<vmem>>, %arg3: memref<20x128xf32, #tpu.memory_space<vmem>>, %arg4: memref<1x128xf32, #tpu.memory_space<vmem>>, %arg5: memref<8x1xi32, #tpu.memory_space<vmem>>, %arg6: memref<8x1xi32, #tpu.memory_space<vmem>>, %arg7: memref<128x128xf32, #tpu.memory_space<vmem>>, %arg8: memref<128x128xf32, #tpu.memory_space<vmem>>, %arg9: memref<128x128xf32, #tpu.memory_space<vmem>>) attributes {dimension_semantics = [#tpu.dimension_semantics<arbitrary>], iteration_bounds = array<i64: 1>, scalar_prefetch = 0 : i64, scratch_operands = 0 : i64, tpu.core_type = #tpu.core_type<tc>, window_params = [{pipeline_mode = #tpu.pipeline_mode<synchronous>, transform_indices = @transform_0, window_bounds = array<i64: 128, 128>}, {pipeline_mode = #tpu.pipeline_mode<synchronous>, transform_indices = @transform_1, window_bounds = array<i64: 128, 20>}, {pipeline_mode = #tpu.pipeline_mode<synchronous>, transform_indices = @transform_2, window_bounds = array<i64: 20, 128>}, {pipeline_mode = #tpu.pipeline_mode<synchronous>, transform_indices = @transform_3, window_bounds = array<i64: 1, 128>}, {pipeline_mode = #tpu.pipeline_mode<synchronous>, transform_indices = @transform_4, window_bounds = array<i64: 8, 1>}, {pipeline_mode = #tpu.pipeline_mode<synchronous>, transform_indices = @transform_5, window_bounds = array<i64: 8, 1>}, {pipeline_mode = #tpu.pipeline_mode<synchronous>, transform_indices = @transform_6, window_bounds = array<i64: 128, 128>}, {pipeline_mode = #tpu.pipeline_mode<synchronous>, transform_indices = @transform_7, window_bounds = array<i64: 128, 128>}, {pipeline_mode = #tpu.pipeline_mode<synchronous>, transform_indices = @transform_8, window_bounds = array<i64: 128, 128>}]} {
    %get3A = arith.constant 0 : index
    %get3A_0 = arith.constant 0 : index
    %get3A_1 = vector.load %arg2[%get3A, %get3A_0] : memref<128x20xf32, #tpu.memory_space<vmem>>, vector<128x20xf32>
    %get3A_2 = arith.constant 0 : index
    %get3A_3 = arith.constant 0 : index
    %get3A_4 = vector.load %arg3[%get3A_2, %get3A_3] : memref<20x128xf32, #tpu.memory_space<vmem>>, vector<20x128xf32>
    %dot_general3A = arith.constant dense<0.000000e+00> : vector<128x128xf32>
    %dot_general3A_5 = tpu.matmul %get3A_1, %get3A_4, %dot_general3A {dimension_numbers = #tpu.dot_dimension_numbers<[1], [0], [0], [1], [0, 0, 1, 1], [], []>, transpose_lhs_hint = false} : vector<128x20xf32>, vector<20x128xf32>, vector<128x128xf32> -> vector<128x128xf32>
    %get3A_6 = arith.constant 0 : index
    %get3A_7 = arith.constant 0 : index
    %get3A_8 = vector.load %arg4[%get3A_6, %get3A_7] : memref<1x128xf32, #tpu.memory_space<vmem>>, vector<1x128xf32>
    %add3A = vector.broadcast %get3A_8 : vector<1x128xf32> to vector<128x128xf32>
    %add3A_9 = arith.addf %dot_general3A_5, %add3A : vector<128x128xf32>
    %get3A_10 = arith.constant 0 : index
    %get3A_11 = arith.constant 0 : index
    %get3A_12 = vector.load %arg1[%get3A_10, %get3A_11] : memref<128x128xf32, #tpu.memory_space<vmem>>, vector<128x128xf32>
    %add3A_13 = arith.addf %get3A_12, %add3A_9 : vector<128x128xf32>
    %iota3A = tpu.iota {dimensions = array<i32: 1>} : vector<1x128xi32>
    %get3A_14 = arith.constant 0 : index
    %get3A_15 = arith.constant 0 : index
    %get3A_16 = vector.load %arg5[%get3A_14, %get3A_15] : memref<8x1xi32, #tpu.memory_space<vmem>>, vector<8x1xi32>
    %eq3A = vector.broadcast %get3A_16 : vector<8x1xi32> to vector<8x128xi32>
    %eq3A_17 = vector.broadcast %iota3A : vector<1x128xi32> to vector<8x128xi32>
    %eq3A_18 = arith.cmpi eq, %eq3A, %eq3A_17 : vector<8x128xi32>
    %convert_element_type3A = arith.extui %eq3A_18 : vector<8x128xi1> to vector<8x128xi32>
    %convert_element_type3A_19 = arith.sitofp %convert_element_type3A : vector<8x128xi32> to vector<8x128xf32>
    %get3A_20 = arith.constant 0 : index
    %get3A_21 = arith.constant 0 : index
    %get3A_22 = vector.load %arg6[%get3A_20, %get3A_21] : memref<8x1xi32, #tpu.memory_space<vmem>>, vector<8x1xi32>
    %add3A_23 = arith.constant 64 : i32
    %add3A_24 = vector.broadcast %add3A_23 : i32 to vector<8x1xi32>
    %add3A_25 = arith.addi %get3A_22, %add3A_24 : vector<8x1xi32>
    %eq3A_26 = vector.broadcast %add3A_25 : vector<8x1xi32> to vector<8x128xi32>
    %eq3A_27 = vector.broadcast %iota3A : vector<1x128xi32> to vector<8x128xi32>
    %eq3A_28 = arith.cmpi eq, %eq3A_26, %eq3A_27 : vector<8x128xi32>
    %convert_element_type3A_29 = arith.extui %eq3A_28 : vector<8x128xi1> to vector<8x128xi32>
    %convert_element_type3A_30 = arith.sitofp %convert_element_type3A_29 : vector<8x128xi32> to vector<8x128xf32>
    %get3A_31 = arith.constant 0 : index
    %get3A_32 = arith.constant 0 : index
    %get3A_33 = vector.load %arg7[%get3A_31, %get3A_32] : memref<128x128xf32, #tpu.memory_space<vmem>>, vector<128x128xf32>
    %dot_general3A_34 = arith.constant dense<0.000000e+00> : vector<8x128xf32>
    %dot_general3A_35 = tpu.matmul %convert_element_type3A_19, %get3A_33, %dot_general3A_34 {dimension_numbers = #tpu.dot_dimension_numbers<[1], [0], [0], [1], [0, 0, 1, 1], [], []>, transpose_lhs_hint = false} : vector<8x128xf32>, vector<128x128xf32>, vector<8x128xf32> -> vector<8x128xf32>
    %get3A_36 = arith.constant 0 : index
    %get3A_37 = arith.constant 0 : index
    %get3A_38 = vector.load %arg8[%get3A_36, %get3A_37] : memref<128x128xf32, #tpu.memory_space<vmem>>, vector<128x128xf32>
    %dot_general3A_39 = arith.constant dense<0.000000e+00> : vector<8x128xf32>
    %dot_general3A_40 = tpu.matmul %convert_element_type3A_30, %get3A_38, %dot_general3A_39 {dimension_numbers = #tpu.dot_dimension_numbers<[1], [0], [0], [1], [0, 0, 1, 1], [], []>, transpose_lhs_hint = false} : vector<8x128xf32>, vector<128x128xf32>, vector<8x128xf32> -> vector<8x128xf32>
    %add3A_41 = arith.addf %dot_general3A_35, %dot_general3A_40 : vector<8x128xf32>
    %iota3A_42 = tpu.iota {dimensions = array<i32: 0>} : vector<128x1xi32>
    %iota3A_43 = tpu.iota {dimensions = array<i32: 1>} : vector<1x8xi32>
    %add3A_44 = arith.constant 102 : i32
    %add3A_45 = vector.broadcast %add3A_44 : i32 to vector<1x8xi32>
    %add3A_46 = arith.addi %add3A_45, %iota3A_43 : vector<1x8xi32>
    %eq3A_47 = vector.broadcast %iota3A_42 : vector<128x1xi32> to vector<128x8xi32>
    %eq3A_48 = vector.broadcast %add3A_46 : vector<1x8xi32> to vector<128x8xi32>
    %eq3A_49 = arith.cmpi eq, %eq3A_47, %eq3A_48 : vector<128x8xi32>
    %convert_element_type3A_50 = arith.extui %eq3A_49 : vector<128x8xi1> to vector<128x8xi32>
    %convert_element_type3A_51 = arith.sitofp %convert_element_type3A_50 : vector<128x8xi32> to vector<128x8xf32>
    %dot_general3A_52 = arith.constant dense<0.000000e+00> : vector<128x128xf32>
    %dot_general3A_53 = tpu.matmul %convert_element_type3A_51, %add3A_41, %dot_general3A_52 {dimension_numbers = #tpu.dot_dimension_numbers<[1], [0], [0], [1], [0, 0, 1, 1], [], []>, transpose_lhs_hint = false} : vector<128x8xf32>, vector<8x128xf32>, vector<128x128xf32> -> vector<128x128xf32>
    %ge3A = arith.constant 102 : i32
    %ge3A_54 = vector.broadcast %ge3A : i32 to vector<128x1xi32>
    %ge3A_55 = arith.cmpi sge, %iota3A_42, %ge3A_54 : vector<128x1xi32>
    %lt3A = arith.constant 110 : i32
    %lt3A_56 = vector.broadcast %lt3A : i32 to vector<128x1xi32>
    %lt3A_57 = arith.cmpi slt, %iota3A_42, %lt3A_56 : vector<128x1xi32>
    %and3A = arith.andi %ge3A_55, %lt3A_57 : vector<128x1xi1>
    %convert_element_type3A_58 = arith.extui %and3A : vector<128x1xi1> to vector<128x1xi32>
    %convert_element_type3A_59 = arith.sitofp %convert_element_type3A_58 : vector<128x1xi32> to vector<128x1xf32>
    %get3A_60 = arith.constant 101 : index
    %get3A_61 = arith.constant 0 : index
    %get3A_62 = vector.load %arg1[%get3A_60, %get3A_61] : memref<128x128xf32, #tpu.memory_space<vmem>>, vector<1x128xf32>
    %add3A_63 = vector.broadcast %get3A_62 : vector<1x128xf32> to vector<128x128xf32>
    %add3A_64 = arith.addf %add3A_63, %dot_general3A_53 : vector<128x128xf32>
    %sub3A = arith.subf %add3A_64, %add3A_13 : vector<128x128xf32>
    %mul3A = vector.broadcast %convert_element_type3A_59 : vector<128x1xf32> to vector<128x128xf32>
    %mul3A_65 = arith.mulf %mul3A, %sub3A : vector<128x128xf32>
    %add3A_66 = arith.addf %add3A_13, %mul3A_65 : vector<128x128xf32>
    %swap3A = arith.constant 0 : index
    %swap3A_67 = arith.constant 0 : index
    %swap3A_68 = vector.load %arg9[%swap3A, %swap3A_67] : memref<128x128xf32, #tpu.memory_space<vmem>>, vector<128x128xf32>
    tpu.vector_store %arg9[%swap3A, %swap3A_67], %add3A_66 {strides = array<i32>} : memref<128x128xf32, #tpu.memory_space<vmem>>, vector<128x128xf32>,
    return
  }
  func.func @transform_0(%arg0: i32) -> (i32, i32) {
    %c0_i32 = arith.constant 0 : i32
    %c0_i32_0 = arith.constant 0 : i32
    %c0_i32_1 = arith.constant 0 : i32
    return %c0_i32, %c0_i32_0 : i32, i32
  }
  func.func @transform_1(%arg0: i32) -> (i32, i32) {
    %c0_i32 = arith.constant 0 : i32
    %c0_i32_0 = arith.constant 0 : i32
    %c0_i32_1 = arith.constant 0 : i32
    return %c0_i32, %c0_i32_0 : i32, i32
  }
  func.func @transform_2(%arg0: i32) -> (i32, i32) {
    %c0_i32 = arith.constant 0 : i32
    %c0_i32_0 = arith.constant 0 : i32
    %c0_i32_1 = arith.constant 0 : i32
    return %c0_i32, %c0_i32_0 : i32, i32
  }
  func.func @transform_3(%arg0: i32) -> (i32, i32) {
    %c0_i32 = arith.constant 0 : i32
    %c0_i32_0 = arith.constant 0 : i32
    %c0_i32_1 = arith.constant 0 : i32
    return %c0_i32, %c0_i32_0 : i32, i32
  }
  func.func @transform_4(%arg0: i32) -> (i32, i32) {
    %c0_i32 = arith.constant 0 : i32
    %c0_i32_0 = arith.constant 0 : i32
    %c0_i32_1 = arith.constant 0 : i32
    return %c0_i32, %c0_i32_0 : i32, i32
  }
  func.func @transform_5(%arg0: i32) -> (i32, i32) {
    %c0_i32 = arith.constant 0 : i32
    %c0_i32_0 = arith.constant 0 : i32
    %c0_i32_1 = arith.constant 0 : i32
    return %c0_i32, %c0_i32_0 : i32, i32
  }
  func.func @transform_6(%arg0: i32) -> (i32, i32) {
    %c0_i32 = arith.constant 0 : i32
    %c0_i32_0 = arith.constant 0 : i32
    %c0_i32_1 = arith.constant 0 : i32
    return %c0_i32, %c0_i32_0 : i32, i32
  }
  func.func @transform_7(%arg0: i32) -> (i32, i32) {
    %c0_i32 = arith.constant 0 : i32
    %c0_i32_0 = arith.constant 0 : i32
    %c0_i32_1 = arith.constant 0 : i32
    return %c0_i32, %c0_i32_0 : i32, i32
  }
  func.func @transform_8(%arg0: i32) -> (i32, i32) {
    %c0_i32 = arith.constant 0 : i32
    %c0_i32_0 = arith.constant 0 : i32
    %c0_i32_1 = arith.constant 0 : i32
    return %c0_i32, %c0_i32_0 : i32, i32
  }
}

module attributes {stable_mosaic.version = 14 : i64} {
  func.func @_geom_kernel(%arg0: i32, %arg1: memref<1x256x3xf32, #tpu.memory_space<vmem>>, %arg2: memref<1x3x256xf32, #tpu.memory_space<vmem>>, %arg3: memref<1x256x256xf32, #tpu.memory_space<vmem>>, %arg4: memref<1x256x256xf32, #tpu.memory_space<vmem>>, %arg5: memref<1x256x256xf32, #tpu.memory_space<vmem>>) attributes {dimension_semantics = [#tpu.dimension_semantics<arbitrary>], iteration_bounds = array<i64: 8>, scalar_prefetch = 0 : i64, scratch_operands = 0 : i64, tpu.core_type = #tpu.core_type<tc>, window_params = [{transform_indices = @transform_0, window_bounds = array<i64: 1, 256, 3>}, {transform_indices = @transform_1, window_bounds = array<i64: 1, 3, 256>}, {transform_indices = @transform_2, window_bounds = array<i64: 1, 256, 256>}, {transform_indices = @transform_3, window_bounds = array<i64: 1, 256, 256>}, {transform_indices = @transform_4, window_bounds = array<i64: 1, 256, 256>}]} {
    %get3A = arith.constant 0 : index
    %get3A_0 = arith.constant 0 : index
    %get3A_1 = arith.constant 0 : index
    %get3A_2 = vector.load %arg1[%get3A, %get3A_0, %get3A_1] : memref<1x256x3xf32, #tpu.memory_space<vmem>>, vector<1x256x3xf32>
    %get3A_3 = vector.shape_cast %get3A_2 : vector<1x256x3xf32> to vector<256x3xf32>
    %get3A_4 = arith.constant 0 : index
    %get3A_5 = arith.constant 0 : index
    %get3A_6 = arith.constant 0 : index
    %get3A_7 = vector.load %arg2[%get3A_4, %get3A_5, %get3A_6] : memref<1x3x256xf32, #tpu.memory_space<vmem>>, vector<1x3x256xf32>
    %get3A_8 = vector.shape_cast %get3A_7 : vector<1x3x256xf32> to vector<3x256xf32>
    %slice3A = vector.extract_strided_slice %get3A_8 {offsets = [0, 0], sizes = [1, 256], strides = [1, 1]} : vector<3x256xf32> to vector<1x256xf32>
    %slice3A_9 = vector.extract_strided_slice %get3A_3 {offsets = [0, 0], sizes = [256, 1], strides = [1, 1]} : vector<256x3xf32> to vector<256x1xf32>
    %sub3A = vector.broadcast %slice3A : vector<1x256xf32> to vector<256x256xf32>
    %sub3A_10 = vector.broadcast %slice3A_9 : vector<256x1xf32> to vector<256x256xf32>
    %sub3A_11 = arith.subf %sub3A, %sub3A_10 : vector<256x256xf32>
    %slice3A_12 = vector.extract_strided_slice %get3A_8 {offsets = [1, 0], sizes = [1, 256], strides = [1, 1]} : vector<3x256xf32> to vector<1x256xf32>
    %slice3A_13 = vector.extract_strided_slice %get3A_3 {offsets = [0, 1], sizes = [256, 1], strides = [1, 1]} : vector<256x3xf32> to vector<256x1xf32>
    %sub3A_14 = vector.broadcast %slice3A_12 : vector<1x256xf32> to vector<256x256xf32>
    %sub3A_15 = vector.broadcast %slice3A_13 : vector<256x1xf32> to vector<256x256xf32>
    %sub3A_16 = arith.subf %sub3A_14, %sub3A_15 : vector<256x256xf32>
    %slice3A_17 = vector.extract_strided_slice %get3A_8 {offsets = [2, 0], sizes = [1, 256], strides = [1, 1]} : vector<3x256xf32> to vector<1x256xf32>
    %slice3A_18 = vector.extract_strided_slice %get3A_3 {offsets = [0, 2], sizes = [256, 1], strides = [1, 1]} : vector<256x3xf32> to vector<256x1xf32>
    %sub3A_19 = vector.broadcast %slice3A_17 : vector<1x256xf32> to vector<256x256xf32>
    %sub3A_20 = vector.broadcast %slice3A_18 : vector<256x1xf32> to vector<256x256xf32>
    %sub3A_21 = arith.subf %sub3A_19, %sub3A_20 : vector<256x256xf32>
    %mul3A = arith.mulf %sub3A_11, %sub3A_11 : vector<256x256xf32>
    %mul3A_22 = arith.mulf %sub3A_16, %sub3A_16 : vector<256x256xf32>
    %add3A = arith.addf %mul3A, %mul3A_22 : vector<256x256xf32>
    %mul3A_23 = arith.mulf %sub3A_21, %sub3A_21 : vector<256x256xf32>
    %add3A_24 = arith.addf %add3A, %mul3A_23 : vector<256x256xf32>
    %add3A_25 = arith.constant 9.99999996E-13 : f32
    %add3A_26 = vector.broadcast %add3A_25 : f32 to vector<256x256xf32>
    %add3A_27 = arith.addf %add3A_24, %add3A_26 : vector<256x256xf32>
    %sqrt3A = math.sqrt %add3A_27 : vector<256x256xf32>
    %swap3A = arith.constant 0 : index
    %swap3A_28 = arith.constant 0 : index
    %swap3A_29 = arith.constant 0 : index
    %swap3A_30 = vector.load %arg3[%swap3A, %swap3A_28, %swap3A_29] : memref<1x256x256xf32, #tpu.memory_space<vmem>>, vector<1x256x256xf32>
    %swap3A_31 = vector.shape_cast %swap3A_30 : vector<1x256x256xf32> to vector<256x256xf32>
    %swap3A_32 = vector.shape_cast %sqrt3A : vector<256x256xf32> to vector<1x256x256xf32>
    tpu.vector_store %arg3[%swap3A, %swap3A_28, %swap3A_29], %swap3A_32 {strides = array<i32>} : memref<1x256x256xf32, #tpu.memory_space<vmem>>, vector<1x256x256xf32>,
    %atan23A = math.atan2 %sub3A_16, %sub3A_11 : vector<256x256xf32>
    %swap3A_33 = arith.constant 0 : index
    %swap3A_34 = arith.constant 0 : index
    %swap3A_35 = arith.constant 0 : index
    %swap3A_36 = vector.load %arg4[%swap3A_33, %swap3A_34, %swap3A_35] : memref<1x256x256xf32, #tpu.memory_space<vmem>>, vector<1x256x256xf32>
    %swap3A_37 = vector.shape_cast %swap3A_36 : vector<1x256x256xf32> to vector<256x256xf32>
    %swap3A_38 = vector.shape_cast %atan23A : vector<256x256xf32> to vector<1x256x256xf32>
    tpu.vector_store %arg4[%swap3A_33, %swap3A_34, %swap3A_35], %swap3A_38 {strides = array<i32>} : memref<1x256x256xf32, #tpu.memory_space<vmem>>, vector<1x256x256xf32>,
    %sqrt3A_39 = math.sqrt %add3A_24 : vector<256x256xf32>
    %add3A_40 = arith.constant 9.99999974E-6 : f32
    %add3A_41 = vector.broadcast %add3A_40 : f32 to vector<256x256xf32>
    %add3A_42 = arith.addf %sqrt3A_39, %add3A_41 : vector<256x256xf32>
    %div3A = arith.divf %sub3A_21, %add3A_42 : vector<256x256xf32>
    %jit3A = arith.constant -1.000000e+00 : f32
    %jit3A_43 = arith.constant 1.000000e+00 : f32
    %max3A = vector.broadcast %jit3A : f32 to vector<256x256xf32>
    %max3A_44 = arith.maximumf %max3A, %div3A : vector<256x256xf32>
    %min3A = vector.broadcast %jit3A_43 : f32 to vector<256x256xf32>
    %min3A_45 = arith.minimumf %min3A, %max3A_44 : vector<256x256xf32>
    %mul3A_46 = arith.mulf %min3A_45, %min3A_45 : vector<256x256xf32>
    %sub3A_47 = arith.constant 1.000000e+00 : f32
    %sub3A_48 = vector.broadcast %sub3A_47 : f32 to vector<256x256xf32>
    %sub3A_49 = arith.subf %sub3A_48, %mul3A_46 : vector<256x256xf32>
    %max3A_50 = arith.constant 0.000000e+00 : f32
    %max3A_51 = vector.broadcast %max3A_50 : f32 to vector<256x256xf32>
    %max3A_52 = arith.maximumf %sub3A_49, %max3A_51 : vector<256x256xf32>
    %sqrt3A_53 = math.sqrt %max3A_52 : vector<256x256xf32>
    %atan23A_54 = math.atan2 %sqrt3A_53, %min3A_45 : vector<256x256xf32>
    %swap3A_55 = arith.constant 0 : index
    %swap3A_56 = arith.constant 0 : index
    %swap3A_57 = arith.constant 0 : index
    %swap3A_58 = vector.load %arg5[%swap3A_55, %swap3A_56, %swap3A_57] : memref<1x256x256xf32, #tpu.memory_space<vmem>>, vector<1x256x256xf32>
    %swap3A_59 = vector.shape_cast %swap3A_58 : vector<1x256x256xf32> to vector<256x256xf32>
    %swap3A_60 = vector.shape_cast %atan23A_54 : vector<256x256xf32> to vector<1x256x256xf32>
    tpu.vector_store %arg5[%swap3A_55, %swap3A_56, %swap3A_57], %swap3A_60 {strides = array<i32>} : memref<1x256x256xf32, #tpu.memory_space<vmem>>, vector<1x256x256xf32>,
    return
  }
  func.func @transform_0(%arg0: i32) -> (i32, i32, i32) {
    %c0_i32 = arith.constant 0 : i32
    %c0_i32_0 = arith.constant 0 : i32
    %c0_i32_1 = arith.constant 0 : i32
    return %arg0, %c0_i32, %c0_i32_0 : i32, i32, i32
  }
  func.func @transform_1(%arg0: i32) -> (i32, i32, i32) {
    %c0_i32 = arith.constant 0 : i32
    %c0_i32_0 = arith.constant 0 : i32
    %c0_i32_1 = arith.constant 0 : i32
    return %arg0, %c0_i32, %c0_i32_0 : i32, i32, i32
  }
  func.func @transform_2(%arg0: i32) -> (i32, i32, i32) {
    %c0_i32 = arith.constant 0 : i32
    %c0_i32_0 = arith.constant 0 : i32
    %c0_i32_1 = arith.constant 0 : i32
    return %arg0, %c0_i32, %c0_i32_0 : i32, i32, i32
  }
  func.func @transform_3(%arg0: i32) -> (i32, i32, i32) {
    %c0_i32 = arith.constant 0 : i32
    %c0_i32_0 = arith.constant 0 : i32
    %c0_i32_1 = arith.constant 0 : i32
    return %arg0, %c0_i32, %c0_i32_0 : i32, i32, i32
  }
  func.func @transform_4(%arg0: i32) -> (i32, i32, i32) {
    %c0_i32 = arith.constant 0 : i32
    %c0_i32_0 = arith.constant 0 : i32
    %c0_i32_1 = arith.constant 0 : i32
    return %arg0, %c0_i32, %c0_i32_0 : i32, i32, i32
  }
}

module attributes {stable_mosaic.version = 14 : i64} {
  func.func @_pair_kernel(%arg0: i32, %arg1: memref<4096x3xf32, #tpu.memory_space<vmem>>, %arg2: memref<1x2xf32, #tpu.memory_space<vmem>>, %arg3: memref<1x128xf32, #tpu.memory_space<vmem>>, %arg4: memref<1x128xf32, #tpu.memory_space<vmem>>, %arg5: memref<128x128xbf16, #tpu.memory_space<vmem>>, %arg6: memref<1x128xf32, #tpu.memory_space<vmem>>, %arg7: memref<384x128xbf16, #tpu.memory_space<vmem>>, %arg8: memref<1x128xf32, #tpu.memory_space<vmem>>, %arg9: memref<1x128xf32, #tpu.memory_space<vmem>>, %arg10: memref<4096x128xf32, #tpu.memory_space<vmem>>) attributes {dimension_semantics = [#tpu.dimension_semantics<arbitrary>], iteration_bounds = array<i64: 128>, scalar_prefetch = 0 : i64, scratch_operands = 0 : i64, tpu.core_type = #tpu.core_type<tc>, window_params = [{transform_indices = @transform_0, window_bounds = array<i64: 4096, 3>}, {pipeline_mode = #tpu.pipeline_mode<synchronous>, transform_indices = @transform_1, window_bounds = array<i64: 1, 2>}, {pipeline_mode = #tpu.pipeline_mode<synchronous>, transform_indices = @transform_2, window_bounds = array<i64: 1, 128>}, {pipeline_mode = #tpu.pipeline_mode<synchronous>, transform_indices = @transform_3, window_bounds = array<i64: 1, 128>}, {pipeline_mode = #tpu.pipeline_mode<synchronous>, transform_indices = @transform_4, window_bounds = array<i64: 128, 128>}, {pipeline_mode = #tpu.pipeline_mode<synchronous>, transform_indices = @transform_5, window_bounds = array<i64: 1, 128>}, {pipeline_mode = #tpu.pipeline_mode<synchronous>, transform_indices = @transform_6, window_bounds = array<i64: 384, 128>}, {pipeline_mode = #tpu.pipeline_mode<synchronous>, transform_indices = @transform_7, window_bounds = array<i64: 1, 128>}, {pipeline_mode = #tpu.pipeline_mode<synchronous>, transform_indices = @transform_8, window_bounds = array<i64: 1, 128>}, {transform_indices = @transform_9, window_bounds = array<i64: 4096, 128>}]} {
    %get3A = arith.constant 0 : index
    %get3A_0 = arith.constant 0 : index
    %get3A_1 = vector.load %arg1[%get3A, %get3A_0] : memref<4096x3xf32, #tpu.memory_space<vmem>>, vector<4096x3xf32>
    %slice3A = vector.extract_strided_slice %get3A_1 {offsets = [0, 0], sizes = [4096, 1], strides = [1, 1]} : vector<4096x3xf32> to vector<4096x1xf32>
    %slice3A_2 = vector.extract_strided_slice %get3A_1 {offsets = [0, 1], sizes = [4096, 1], strides = [1, 1]} : vector<4096x3xf32> to vector<4096x1xf32>
    %slice3A_3 = vector.extract_strided_slice %get3A_1 {offsets = [0, 2], sizes = [4096, 1], strides = [1, 1]} : vector<4096x3xf32> to vector<4096x1xf32>
    %get3A_4 = arith.constant 0 : index
    %get3A_5 = arith.constant 0 : index
    %get3A_6 = vector.load %arg2[%get3A_4, %get3A_5] : memref<1x2xf32, #tpu.memory_space<vmem>>, vector<1x1xf32>
    %get3A_7 = vector.extract %get3A_6[0, 0] : f32 from vector<1x1xf32>
    %get3A_8 = arith.constant 0 : index
    %get3A_9 = arith.constant 1 : index
    %get3A_10 = vector.load %arg2[%get3A_8, %get3A_9] : memref<1x2xf32, #tpu.memory_space<vmem>>, vector<1x1xf32>
    %get3A_11 = vector.extract %get3A_10[0, 0] : f32 from vector<1x1xf32>
    %get3A_12 = arith.constant 0 : index
    %get3A_13 = arith.constant 0 : index
    %get3A_14 = vector.load %arg4[%get3A_12, %get3A_13] : memref<1x128xf32, #tpu.memory_space<vmem>>, vector<1x128xf32>
    %abs3A = math.absf %get3A_14 : vector<1x128xf32>
    %add3A = arith.constant 0.00999999977 : f32
    %add3A_15 = vector.broadcast %add3A : f32 to vector<1x128xf32>
    %add3A_16 = arith.addf %abs3A, %add3A_15 : vector<1x128xf32>
    %div3A = arith.constant 1.000000e+00 : f32
    %div3A_17 = vector.broadcast %div3A : f32 to vector<1x128xf32>
    %div3A_18 = arith.divf %div3A_17, %add3A_16 : vector<1x128xf32>
    %mul3A = arith.constant 0.849321782 : f32
    %mul3A_19 = arith.mulf %get3A_7, %mul3A : f32
    %mul3A_20 = vector.broadcast %mul3A_19 : f32 to vector<1x128xf32>
    %mul3A_21 = arith.mulf %mul3A_20, %div3A_18 : vector<1x128xf32>
    %get3A_22 = arith.constant 0 : index
    %get3A_23 = arith.constant 0 : index
    %get3A_24 = vector.load %arg3[%get3A_22, %get3A_23] : memref<1x128xf32, #tpu.memory_space<vmem>>, vector<1x128xf32>
    %sub3A = vector.broadcast %get3A_11 : f32 to vector<1x128xf32>
    %sub3A_25 = arith.subf %sub3A, %get3A_24 : vector<1x128xf32>
    %mul3A_26 = arith.mulf %sub3A_25, %div3A_18 : vector<1x128xf32>
    %mul3A_27 = arith.constant 0.849321782 : f32
    %mul3A_28 = vector.broadcast %mul3A_27 : f32 to vector<1x128xf32>
    %mul3A_29 = arith.mulf %mul3A_26, %mul3A_28 : vector<1x128xf32>
    %mul3A_30 = arith.constant 2.50662732 : f32
    %mul3A_31 = vector.broadcast %mul3A_30 : f32 to vector<1x128xf32>
    %mul3A_32 = arith.mulf %mul3A_31, %add3A_16 : vector<1x128xf32>
    %log3A = math.log %mul3A_32 : vector<1x128xf32>
    %log3A_33 = arith.constant 2.000000e+00 : f32
    %log3A_34 = math.log %log3A_33 : f32
    %div3A_35 = vector.broadcast %log3A_34 : f32 to vector<1x128xf32>
    %div3A_36 = arith.divf %log3A, %div3A_35 : vector<1x128xf32>
    %neg3A = arith.constant 0.000000e+00 : f32
    %neg3A_37 = vector.broadcast %neg3A : f32 to vector<1x128xf32>
    %neg3A_38 = arith.subf %neg3A_37, %div3A_36 : vector<1x128xf32>
    %mul3A_39 = vector.broadcast %slice3A : vector<4096x1xf32> to vector<4096x128xf32>
    %mul3A_40 = vector.broadcast %mul3A_21 : vector<1x128xf32> to vector<4096x128xf32>
    %mul3A_41 = arith.mulf %mul3A_39, %mul3A_40 : vector<4096x128xf32>
    %add3A_42 = vector.broadcast %mul3A_29 : vector<1x128xf32> to vector<4096x128xf32>
    %add3A_43 = arith.addf %mul3A_41, %add3A_42 : vector<4096x128xf32>
    %mul3A_44 = arith.mulf %add3A_43, %add3A_43 : vector<4096x128xf32>
    %sub3A_45 = vector.broadcast %neg3A_38 : vector<1x128xf32> to vector<4096x128xf32>
    %sub3A_46 = arith.subf %sub3A_45, %mul3A_44 : vector<4096x128xf32>
    %exp23A = math.exp2 %sub3A_46 : vector<4096x128xf32>
    %convert_element_type3A = arith.truncf %exp23A : vector<4096x128xf32> to vector<4096x128xbf16>
    %get3A_47 = arith.constant 0 : index
    %get3A_48 = arith.constant 0 : index
    %get3A_49 = vector.load %arg5[%get3A_47, %get3A_48] : memref<128x128xbf16, #tpu.memory_space<vmem>>, vector<128x128xbf16>
    %dot_general3A = arith.constant dense<0.000000e+00> : vector<4096x128xf32>
    %dot_general3A_50 = tpu.matmul %convert_element_type3A, %get3A_49, %dot_general3A {dimension_numbers = #tpu.dot_dimension_numbers<[1], [0], [0], [1], [0, 0, 1, 1], [], []>, transpose_lhs_hint = false} : vector<4096x128xbf16>, vector<128x128xbf16>, vector<4096x128xf32> -> vector<4096x128xf32>
    %get3A_51 = arith.constant 0 : index
    %get3A_52 = arith.constant 0 : index
    %get3A_53 = vector.load %arg6[%get3A_51, %get3A_52] : memref<1x128xf32, #tpu.memory_space<vmem>>, vector<1x128xf32>
    %add3A_54 = vector.broadcast %get3A_53 : vector<1x128xf32> to vector<4096x128xf32>
    %add3A_55 = arith.addf %dot_general3A_50, %add3A_54 : vector<4096x128xf32>
    %mul3A_56 = arith.constant 0.707106769 : f32
    %mul3A_57 = vector.broadcast %mul3A_56 : f32 to vector<4096x128xf32>
    %mul3A_58 = arith.mulf %mul3A_57, %add3A_55 : vector<4096x128xf32>
    %erf3A = math.erf %add3A_55 : vector<4096x128xf32>
    %mul3A_59 = arith.mulf %mul3A_58, %erf3A : vector<4096x128xf32>
    %add3A_60 = arith.addf %mul3A_59, %mul3A_58 : vector<4096x128xf32>
    %get3A_61 = arith.constant 0 : index
    %get3A_62 = arith.constant 0 : index
    %get3A_63 = vector.load %arg9[%get3A_61, %get3A_62] : memref<1x128xf32, #tpu.memory_space<vmem>>, vector<1x128xf32>
    %broadcast_in_dim3A = vector.shape_cast %slice3A_2 : vector<4096x1xf32> to vector<4096x1xf32>
    %broadcast_in_dim3A_64 = vector.broadcast %broadcast_in_dim3A : vector<4096x1xf32> to vector<4096x64xf32>
    %broadcast_in_dim3A_65 = vector.shape_cast %slice3A_3 : vector<4096x1xf32> to vector<4096x1xf32>
    %broadcast_in_dim3A_66 = vector.broadcast %broadcast_in_dim3A_65 : vector<4096x1xf32> to vector<4096x64xf32>
    %concatenate3A = tpu.concatenate %broadcast_in_dim3A_64, %broadcast_in_dim3A_66 in 1 : vector<4096x64xf32>, vector<4096x64xf32> -> vector<4096x128xf32>
    %mul3A_67 = vector.broadcast %get3A_63 : vector<1x128xf32> to vector<4096x128xf32>
    %mul3A_68 = arith.mulf %concatenate3A, %mul3A_67 : vector<4096x128xf32>
    %mul3A_69 = arith.constant 0.159154937 : f32
    %mul3A_70 = vector.broadcast %mul3A_69 : f32 to vector<4096x128xf32>
    %mul3A_71 = arith.mulf %mul3A_68, %mul3A_70 : vector<4096x128xf32>
    %add3A_72 = arith.constant 5.000000e-01 : f32
    %add3A_73 = vector.broadcast %add3A_72 : f32 to vector<4096x128xf32>
    %add3A_74 = arith.addf %mul3A_71, %add3A_73 : vector<4096x128xf32>
    %floor3A = math.floor %add3A_74 : vector<4096x128xf32>
    %mul3A_75 = arith.constant 6.281250e+00 : f32
    %mul3A_76 = vector.broadcast %mul3A_75 : f32 to vector<4096x128xf32>
    %mul3A_77 = arith.mulf %floor3A, %mul3A_76 : vector<4096x128xf32>
    %sub3A_78 = arith.subf %mul3A_68, %mul3A_77 : vector<4096x128xf32>
    %mul3A_79 = arith.constant 0.00193530717 : f32
    %mul3A_80 = vector.broadcast %mul3A_79 : f32 to vector<4096x128xf32>
    %mul3A_81 = arith.mulf %floor3A, %mul3A_80 : vector<4096x128xf32>
    %sub3A_82 = arith.subf %sub3A_78, %mul3A_81 : vector<4096x128xf32>
    %mul3A_83 = arith.mulf %sub3A_82, %sub3A_82 : vector<4096x128xf32>
    %mul3A_84 = arith.constant 2.14013971E-6 : f32
    %mul3A_85 = vector.broadcast %mul3A_84 : f32 to vector<4096x128xf32>
    %mul3A_86 = arith.mulf %mul3A_85, %mul3A_83 : vector<4096x128xf32>
    %add3A_87 = arith.constant -1.92494437E-4 : f32
    %add3A_88 = vector.broadcast %add3A_87 : f32 to vector<4096x128xf32>
    %add3A_89 = arith.addf %mul3A_86, %add3A_88 : vector<4096x128xf32>
    %mul3A_90 = arith.mulf %add3A_89, %mul3A_83 : vector<4096x128xf32>
    %add3A_91 = arith.constant 0.00830795523 : f32
    %add3A_92 = vector.broadcast %add3A_91 : f32 to vector<4096x128xf32>
    %add3A_93 = arith.addf %mul3A_90, %add3A_92 : vector<4096x128xf32>
    %mul3A_94 = arith.mulf %add3A_93, %mul3A_83 : vector<4096x128xf32>
    %add3A_95 = arith.constant -0.166621894 : f32
    %add3A_96 = vector.broadcast %add3A_95 : f32 to vector<4096x128xf32>
    %add3A_97 = arith.addf %mul3A_94, %add3A_96 : vector<4096x128xf32>
    %mul3A_98 = arith.mulf %add3A_97, %mul3A_83 : vector<4096x128xf32>
    %add3A_99 = arith.constant 0.999977827 : f32
    %add3A_100 = vector.broadcast %add3A_99 : f32 to vector<4096x128xf32>
    %add3A_101 = arith.addf %mul3A_98, %add3A_100 : vector<4096x128xf32>
    %mul3A_102 = arith.mulf %sub3A_82, %add3A_101 : vector<4096x128xf32>
    %mul3A_103 = arith.mulf %mul3A_102, %mul3A_102 : vector<4096x128xf32>
    %sub3A_104 = arith.constant 1.000000e+00 : f32
    %sub3A_105 = vector.broadcast %sub3A_104 : f32 to vector<4096x128xf32>
    %sub3A_106 = arith.subf %sub3A_105, %mul3A_103 : vector<4096x128xf32>
    %max3A = arith.constant 1.000000e-30 : f32
    %max3A_107 = vector.broadcast %max3A : f32 to vector<4096x128xf32>
    %max3A_108 = arith.maximumf %sub3A_106, %max3A_107 : vector<4096x128xf32>
    %rsqrt3A = math.rsqrt %max3A_108 : vector<4096x128xf32>
    %mul3A_109 = arith.mulf %max3A_108, %rsqrt3A : vector<4096x128xf32>
    %lt3A = arith.constant 2.46740103 : f32
    %lt3A_110 = vector.broadcast %lt3A : f32 to vector<4096x128xf32>
    %lt3A_111 = arith.cmpf olt, %mul3A_83, %lt3A_110 : vector<4096x128xf32>
    %neg3A_112 = arith.constant 0.000000e+00 : f32
    %neg3A_113 = vector.broadcast %neg3A_112 : f32 to vector<4096x128xf32>
    %neg3A_114 = arith.subf %neg3A_113, %mul3A_109 : vector<4096x128xf32>
    %select_n3A = arith.select %lt3A_111, %mul3A_109, %neg3A_114 : vector<4096x128xi1>, vector<4096x128xf32>
    %convert_element_type3A_115 = arith.truncf %add3A_60 : vector<4096x128xf32> to vector<4096x128xbf16>
    %convert_element_type3A_116 = arith.truncf %mul3A_102 : vector<4096x128xf32> to vector<4096x128xbf16>
    %convert_element_type3A_117 = arith.truncf %select_n3A : vector<4096x128xf32> to vector<4096x128xbf16>
    %concatenate3A_118 = tpu.concatenate %convert_element_type3A_115, %convert_element_type3A_116, %convert_element_type3A_117 in 1 : vector<4096x128xbf16>, vector<4096x128xbf16>, vector<4096x128xbf16> -> vector<4096x384xbf16>
    %get3A_119 = arith.constant 0 : index
    %get3A_120 = arith.constant 0 : index
    %get3A_121 = vector.load %arg7[%get3A_119, %get3A_120] : memref<384x128xbf16, #tpu.memory_space<vmem>>, vector<384x128xbf16>
    %dot_general3A_122 = arith.constant dense<0.000000e+00> : vector<4096x128xf32>
    %dot_general3A_123 = tpu.matmul %concatenate3A_118, %get3A_121, %dot_general3A_122 {dimension_numbers = #tpu.dot_dimension_numbers<[1], [0], [0], [1], [0, 0, 1, 1], [], []>, transpose_lhs_hint = false} : vector<4096x384xbf16>, vector<384x128xbf16>, vector<4096x128xf32> -> vector<4096x128xf32>
    %get3A_124 = arith.constant 0 : index
    %get3A_125 = arith.constant 0 : index
    %get3A_126 = vector.load %arg8[%get3A_124, %get3A_125] : memref<1x128xf32, #tpu.memory_space<vmem>>, vector<1x128xf32>
    %add3A_127 = vector.broadcast %get3A_126 : vector<1x128xf32> to vector<4096x128xf32>
    %add3A_128 = arith.addf %dot_general3A_123, %add3A_127 : vector<4096x128xf32>
    %swap3A = arith.constant 0 : index
    %swap3A_129 = arith.constant 0 : index
    %swap3A_130 = vector.load %arg10[%swap3A, %swap3A_129] : memref<4096x128xf32, #tpu.memory_space<vmem>>, vector<4096x128xf32>
    tpu.vector_store %arg10[%swap3A, %swap3A_129], %add3A_128 {strides = array<i32>} : memref<4096x128xf32, #tpu.memory_space<vmem>>, vector<4096x128xf32>,
    return
  }
  func.func @transform_0(%arg0: i32) -> (i32, i32) {
    %c0_i32 = arith.constant 0 : i32
    %c0_i32_0 = arith.constant 0 : i32
    return %arg0, %c0_i32 : i32, i32
  }
  func.func @transform_1(%arg0: i32) -> (i32, i32) {
    %c0_i32 = arith.constant 0 : i32
    %c0_i32_0 = arith.constant 0 : i32
    %c0_i32_1 = arith.constant 0 : i32
    return %c0_i32, %c0_i32_0 : i32, i32
  }
  func.func @transform_2(%arg0: i32) -> (i32, i32) {
    %c0_i32 = arith.constant 0 : i32
    %c0_i32_0 = arith.constant 0 : i32
    %c0_i32_1 = arith.constant 0 : i32
    return %c0_i32, %c0_i32_0 : i32, i32
  }
  func.func @transform_3(%arg0: i32) -> (i32, i32) {
    %c0_i32 = arith.constant 0 : i32
    %c0_i32_0 = arith.constant 0 : i32
    %c0_i32_1 = arith.constant 0 : i32
    return %c0_i32, %c0_i32_0 : i32, i32
  }
  func.func @transform_4(%arg0: i32) -> (i32, i32) {
    %c0_i32 = arith.constant 0 : i32
    %c0_i32_0 = arith.constant 0 : i32
    %c0_i32_1 = arith.constant 0 : i32
    return %c0_i32, %c0_i32_0 : i32, i32
  }
  func.func @transform_5(%arg0: i32) -> (i32, i32) {
    %c0_i32 = arith.constant 0 : i32
    %c0_i32_0 = arith.constant 0 : i32
    %c0_i32_1 = arith.constant 0 : i32
    return %c0_i32, %c0_i32_0 : i32, i32
  }
  func.func @transform_6(%arg0: i32) -> (i32, i32) {
    %c0_i32 = arith.constant 0 : i32
    %c0_i32_0 = arith.constant 0 : i32
    %c0_i32_1 = arith.constant 0 : i32
    return %c0_i32, %c0_i32_0 : i32, i32
  }
  func.func @transform_7(%arg0: i32) -> (i32, i32) {
    %c0_i32 = arith.constant 0 : i32
    %c0_i32_0 = arith.constant 0 : i32
    %c0_i32_1 = arith.constant 0 : i32
    return %c0_i32, %c0_i32_0 : i32, i32
  }
  func.func @transform_8(%arg0: i32) -> (i32, i32) {
    %c0_i32 = arith.constant 0 : i32
    %c0_i32_0 = arith.constant 0 : i32
    %c0_i32_1 = arith.constant 0 : i32
    return %c0_i32, %c0_i32_0 : i32, i32
  }
  func.func @transform_9(%arg0: i32) -> (i32, i32) {
    %c0_i32 = arith.constant 0 : i32
    %c0_i32_0 = arith.constant 0 : i32
    return %arg0, %c0_i32 : i32, i32
  }
}

</mosaic_0001>

<sc_bundles>
// kernel: kernel.6.cloned.1.call-start
scs
__scs_entry_jumppad:
0x0: {  	(pc) =	sbr.rel $0x88, $3  }
0x1: {  	(tag) =	ssettag $0x0;
	lr =	simm.s32 $0x1  }
0x2: {  	[smem:$0x3F8A] =	sst lr;
	_ =	strace $0xD0000000  }
0x3: {  	_ = 	snop  }
0x4: {  	_ = 	snop  }
0x5: {  	_ = 	snop  }
0x6: {  	_ = 	snop  }
0x7: {  	_ = 	snop  }
__scs_overlays_trampoline_lowered:
0x8: {  	[smem:$0x3F99] =	sst s0  }
0x9: {  	[smem:$0x3F9A] =	sst s1  }
0xa: {  	[smem:$0x3F9B] =	sst s2  }
0xb: {  	[smem:$0x3F9C] =	sst s3  }
0xc: {  	[smem:$0x3F9D] =	sst s4  }
0xd: {  	[smem:$0x3F9E] =	sst s5  }
0xe: {  	[smem:$0x3F9F] =	sst s6  }
0xf: {  	[smem:$0x3FA0] =	sst s7  }
0x10: {  	[smem:$0x3FA1] =	sst s8  }
0x11: {  	[smem:$0x3FA2] =	sst s9;
	s0 =	simm.s32 @!p0 $0x0  }
0x12: {  	s1 =	sld [smem:$0x3F88];
	s0 =	simm.s32 @p0 $0x1  }
0x13: {  	[smem:$0x3FA3] =	sst s0;
	s0 =	simm.s32 @!p1 $0x0  }
0x14: {  	s2 =	sld [smem:$0x3F87];
	s0 =	simm.s32 @p1 $0x1  }
0x15: {  	[smem:$0x3FA4] =	sst s0;
	s0 =	simm.s32 @!p2 $0x0  }
0x16: {  	s3 =	sld [smem:$0x3FDB];
	s0 =	simm.s32 @p2 $0x1  }
0x17: {  	s4 =	simm.s32 $0x1BF5;
	[smem:$0x3FA6] =	sst s0  }
0x18: {  	s0 =	sld [smem:$0x3F89];
	_ =	swait.ge [sflag:s4], $0x0  }
0x19: {  	s7 =	sld [smem:$0x3F8A]  }
0x1a: {  	s8 =	sadd.s32 $0xFFFFE003, lr  }
0x1b: {  	s9 =	sadd.s32 $0xFFFFFEF7, lr;
	s5 =	simm.s32 $0xFFFFFFFF;
	p2 =	slt.u32 s8, $0xFFFFF086  }
0x1c: {  	p1 =	slt.u32 s9, $0xF7A;
	s5 =	simm.s32 @!p2 $0x0  }
0x1d: {  	s5 =	simm.s32 @p1 $0x1;
	p0 =	seq.s32 s7, s2  }
0x1e: {  	s7 =	smul.u32 @!p0 $0xF7A, s2;
	p2 =	seq.s32 @!p0 s5, $0x0  }
0x1f: {  	s9 =	smul.u32 $0xF7A, s1;
	s8 =	simm.s32 @!p0 $0x1BF5;
	p2 =	por !p2, p0  }
0x20: {  	[sflag:s8] =	ssyncset.s32 @!p0 $0xFFFFF086;
	s6 =	sadd.s32 @!p0 s3, s7;
	s7 =	simm.s32 @!p0 $0x108  }
0x21: {  	s3 =	sadd.s32 s3, s9;
	s6 =	sadd.s32 @!p0 $0x88, s6;
	s7 =	simm.s32 @p2 $0x1082  }
0x22: {  	[simem:s7], [sflag:s8] =	dma.local @!p0 [hbm:s6], $0xF7A  }
0x23: {  	s9 =	sor.u32 $0xD0000000, s2;
	s6 =	simm.s32 $0x108;
	_ =	swait.ge @!p0 [sflag:s8], $0x0  }
0x24: {  	s3 =	sadd.s32 $0x88, s3;
	s6 =	simm.s32 @!p1 $0x1082;
	[sflag:s4] =	ssyncset.s32 $0xFFFFF086  }
0x25: {  	[simem:s6], [sflag:s4] =	dma.local [hbm:s3], $0xF7A  }
0x26: {  	[smem:$0x3F8A] =	sst s1;
	(tag) =	ssettag s2;
	_ =	strace s9  }
0x27: {  	s1 =	sld [smem:$0x3F9A]  }
0x28: {  	s2 =	sld [smem:$0x3F9B]  }
0x29: {  	s4 =	sld [smem:$0x3F9D]  }
0x2a: {  	p0 =	seq.s32 s5, $0x0;
	s5 =	sld [smem:$0x3F9E]  }
0x2b: {  	s6 =	sld [smem:$0x3F9F]  }
0x2c: {  	s7 =	sld [smem:$0x3FA0]  }
0x2d: {  	s3 =	simm.s32 $0x108;
	s8 =	sld [smem:$0x3FA1]  }
0x2e: {  	s3 =	simm.s32 @!p0 $0x1082;
	s9 =	sld [smem:$0x3FA2]  }
0x2f: {  	lr =	sadd.s32 s0, s3;
	s0 =	sld [smem:$0x3F99]  }
0x30: {  	s3 =	sld [smem:$0x3F9C]  }
0x31: {  	[smem:$0x3FA5] =	sst s10  }
0x32: {  	s10 =	sld [smem:$0x3FA3];
	_ =	sdelay $0x3  }
0x33: {  	p0 =	seq.s32 s10, $0x1;
	s10 =	sld [smem:$0x3FA5];
	_ =	sdelay $0x3  }
0x34: {  	[smem:$0x3FA5] =	sst s10  }
0x35: {  	s10 =	sld [smem:$0x3FA4];
	_ =	sdelay $0x3  }
0x36: {  	p1 =	seq.s32 s10, $0x1;
	s10 =	sld [smem:$0x3FA5];
	_ =	sdelay $0x3  }
0x37: {  	[smem:$0x3FA5] =	sst s10  }
0x38: {  	s10 =	sld [smem:$0x3FA6]  }
0x39: {  	_ = 	snop;
	(pc) =	sbr.ind lr, $3  }
0x3a: {  	_ = 	snop  }
0x3b: {  	_ = 	snop  }
0x3c: {  	p2 =	seq.s32 s10, $0x1;
	s10 =	sld [smem:$0x3FA5]  }
0x3d: {  	_ =	shalt  }
0x3e: {  	_ =	shalt  }
0x3f: {  	_ =	shalt  }
0x40: {  	_ =	shalt  }
0x41: {  	_ =	shalt  }
0x42: {  	_ =	shalt  }
0x43: {  	_ =	shalt  }
0x44: {  	_ =	shalt  }
0x45: {  	_ =	shalt  }
0x46: {  	_ =	shalt  }
0x47: {  	_ =	shalt  }
0x48: {  	_ =	shalt  }
0x49: {  	_ =	shalt  }
0x4a: {  	_ =	shalt  }
0x4b: {  	_ =	shalt  }
0x4c: {  	_ =	shalt  }
0x4d: {  	_ =	shalt  }
0x4e: {  	_ =	shalt  }
0x4f: {  	_ =	shalt  }
0x50: {  	_ =	shalt  }
0x51: {  	_ =	shalt  }
0x52: {  	_ =	shalt  }
0x53: {  	_ =	shalt  }
0x54: {  	_ =	shalt  }
0x55: {  	_ =	shalt  }
0x56: {  	_ =	shalt  }
0x57: {  	_ =	shalt  }
0x58: {  	_ =	shalt  }
0x59: {  	_ =	shalt  }
0x5a: {  	_ =	shalt  }
0x5b: {  	_ =	shalt  }
0x5c: {  	_ =	shalt  }
0x5d: {  	_ =	shalt  }
0x5e: {  	_ =	shalt  }
0x5f: {  	_ =	shalt  }
0x60: {  	_ =	shalt  }
0x61: {  	_ =	shalt  }
0x62: {  	_ =	shalt  }
0x63: {  	_ =	shalt  }
0x64: {  	_ =	shalt  }
0x65: {  	_ =	shalt  }
0x66: {  	_ =	shalt  }
0x67: {  	_ =	shalt  }
0x68: {  	_ =	shalt  }
0x69: {  	_ =	shalt  }
0x6a: {  	_ =	shalt  }
0x6b: {  	_ =	shalt  }
0x6c: {  	_ =	shalt  }
0x6d: {  	_ =	shalt  }
0x6e: {  	_ =	shalt  }
0x6f: {  	_ =	shalt  }
0x70: {  	_ =	shalt  }
0x71: {  	_ =	shalt  }
0x72: {  	_ =	shalt  }
0x73: {  	_ =	shalt  }
0x74: {  	_ =	shalt  }
0x75: {  	_ =	shalt  }
0x76: {  	_ =	shalt  }
0x77: {  	_ =	shalt  }
0x78: {  	_ =	shalt  }
0x79: {  	_ =	shalt  }
0x7a: {  	_ =	shalt  }
0x7b: {  	_ =	shalt  }
0x7c: {  	_ =	shalt  }
0x7d: {  	_ =	shalt  }
0x7e: {  	_ =	shalt  }
0x7f: {  	_ =	shalt  }
0x80: {  	_ =	shalt  }
0x81: {  	_ =	shalt  }
0x82: {  	_ =	shalt  }
0x83: {  	_ =	shalt  }
0x84: {  	_ =	shalt  }
0x85: {  	_ =	shalt  }
0x86: {  	_ =	shalt  }
0x87: {  	_ =	shalt  }
.Lfunc_end0:
.L_simem_size_0:
called_computation_lowered:
.L_overlay_start_0:
0x88: {  	s2 =	sld [smem:$0x3FD9]  }
0x89: {  	s3 =	sld [smem:$0x3FFE];
	_ =	sdelay $0x1  }
0x8a: {  	s1 =	srdreg.scid  }
0x8b: {  	s0 =	sand.u32 $0x1, s1  }
0x8c: {  	s14 =	sshll.u32 s0, $0xA;
	s2 =	sadd.s32 s3, s2  }
0x8d: {  	s2 =	sadd.s32 s2, s14  }
0x8e: {  	[smem:$0x3FB1] =	sst s2  }
0x8f: {  	_ = 	snop  }
0x90: {  	s2 =	sld [smem:$0x3FD0];
	_ =	sdelay $0x2  }
0x91: {  	s15 =	simm.s32 $0xA;
	s4 =	simm.s32 $0x10  }
0x92: {  	[smem:s4], [sflag:s15] =	dma.local [hbm:s2], $0x1  }
0x93: {  	_ =	swait.eq [sflag:s15], $0x1  }
0x94: {  	[sflag:s15] =	ssyncset.done $0x0  }
0x95: {  	[sflag:s15] =	ssyncadd.s32 $0xFFFFFFFF  }
0x96: {  	s16 =	sld [smem:$0x10];
	(tm) =	ssettm $0x1  }
0x97: {  	s17 =	sld [smem:$0x3FFB];
	_ =	sdelay $0x3  }
0x98: {  	_ =	strace s17  }
0x99: {  	s3 =	sld [smem:$0x3FFC];
	_ =	sdelay $0x3  }
0x9a: {  	_ =	strace s3  }
0x9b: {  	s3 =	sld [smem:$0x3FFD];
	_ =	sdelay $0x3  }
0x9c: {  	_ =	strace s3  }
0x9d: {  	_ =	strace $0x8FFFFFFF  }
0x9e: {  	s18 =	sld [smem:$0x3FDB];
	_ =	sdelay $0x1  }
0x9f: {  	s19 =	simm.s32 $_scs_section_size  }
0xa0: {  	s5 =	simm.s32 $_size__tile_overlayer_lowered;
	s6 =	simm.s32 $_tile_overlayer_lowered  }
0xa1: {  	s22 =	simm.s32 $0x1BFF;
	s21 =	sshll.u32 s6, $0x1;
	s3 =	sadd.s32 s19, s18  }
0xa2: {  	s7 =	simm.s32 $0x0;
	s20 =	sshll.u32 s5, $0x1;
	s5 =	sadd.s32 s21, s3  }
0xa3: {  	[timem:s7], [sflag:s22] =	dma.local [hbm:s5], s20  }
0xa4: {  	_ =	swait.ge [sflag:s22], s20  }
0xa5: {  	s4 =	ssub.s32 $0x0, s20;
	[sflag:s22] =	ssyncset.done $0x0  }
0xa6: {  	[sflag:s22] =	ssyncadd.s32 s4;
	_ =	sdelay $0x1  }
0xa7: {  	s23 =	simm.s32 $0x1B8B  }
0xa8: {  	_ =	swait.ge [sflag:s23], $0x1  }
0xa9: {  	[sflag:s23] =	ssyncset.done $0x0  }
0xaa: {  	s25 =	simm.s32 $0x1B8E;
	s24 =	sld [smem:$0x3FFE];
	[sflag:s23] =	ssyncadd.s32 $0xFFFFFFFF  }
0xab: {  	s26 =	simm.s32 $execute0_lowered;
	[smem:$0x3FD2] =	sst s25  }
0xac: {  	s5 =	sshll.u32 s26, $0x1;
	_ =	strace $0x80000046;
	[dreg:$0x1] =	wrdreg $0xFFFFFFFF  }
0xad: {  	s28 =	simm.s32 $_size_execute0_lowered;
	s3 =	sadd.s32 s3, s5;
	[dreg:$0x0] =	wrdreg $0x0  }
0xae: {  	s5 =	sshll.u32 s28, $0x1;
	[dreg:$0x2] =	wrdreg s3  }
0xaf: {  	[dreg:$0x3] =	wrdreg s5  }
0xb0: {  	[dreg:$0x4] =	wrdreg $0xC0  }
0xb1: {  	_ =	task [dreg:s7], $0x5FFFF  }
0xb2: {  	[dreg:$0x1] =	wrdreg $0xFFFFFFFF  }
0xb3: {  	[dreg:$0x0] =	wrdreg $0x60  }
0xb4: {  	[dreg:$0x2] =	wrdreg s24  }
0xb5: {  	[dreg:$0x3] =	wrdreg s16  }
0xb6: {  	[dreg:$0x4] =	wrdreg $0x9  }
0xb7: {  	_ =	task.clear_ibuf [dreg:s7], $0x5FFFF;
	_ =	strace $0x90000046  }
0xb8: {  	s29 =	simm.s32 $0x9;
	_ =	strace $0x8000004D  }
0xb9: {  	_ =	swait.ge [sflag:s29], $0x1  }
0xba: {  	[sflag:s29] =	ssyncadd.s32 $0xFFFFFFFF  }
0xbb: {  	_ =	strace $0x9000004D  }
0xbc: {  	_ =	sfence  }
0xbd: {  	s30 =	sld [smem:$0x0];
	_ =	sdelay $0x2  }
0xbe: {  	s31 =	sshll.u32 s1, $0xD;
	s1 =	sshrl.u32 s1, $0x2  }
0xbf: {  	s3 =	sand.u32 $0x4000, s31;
	s1 =	sadd.s32 s1, s30  }
0xc0: {  	s0 =	sor.u32 s3, s0;
	s1 =	sshll.u32 s1, $0x11  }
0xc1: {  	s0 =	sor.u32 s1, s0  }
0xc2: {  	s0 =	sadd.s32 $0x8F2B, s0  }
0xc3: {  	[sflag:s0] =	ssyncadd.remote.s32 $0x1  }
0xc4: {  	_ =	sfence.sel $0xFFFF  }
0xc5: {  	[dreg:$0x0] =	wrdreg $0xFFFFFFFF;
	(pc) =	sbr.abs _section_cstart, $3  }
0xc6: {  	[dreg:$0x1] =	wrdreg $0xFFFFFFFF  }
0xc7: {  	_ =	task.clear_ibuf [dreg:s7], $0x2FFFF;
	_ =	strace $0x9FFFFFFF  }
0xc8: {  	(tm) =	ssettm $0x7FFFFFFF  }
0xc9: {  	_ =	shalt  }
tec
execute0_lowered:
.L_overlay_start_1:
0x0: {  	(tag) =	ssettag $0x1  }
0x1: {  	s5 =	rddreg [dreg:$0x0]  }
0x2: {  	s9 =	rddreg [dreg:$0x1];
	s2 =	simm.s32 $0x0;
	s1 =	stileid.u32  }
0x3: {  	[smem:$0x7FF] =	sst s2;
	s3 =	sshll.u32 s1, $0x4  }
0x4: {  	s0 =	rddreg [dreg:$0x2];
	_ =	strace $0x80000047;
	s3 =	sadd.s32 s3, s5  }
0x5: {  	s3 =	sadd.s32 $0x2A00, s3;
	_ =	strace $0x80000048  }
0x6: {  	[tilespmem:s2], [sflag:$0x1] =	stream.linear.gather [hbm4b:s3+s2], $0x80, $0x200038;
	[tilespmem:$0x8100] =	vst v63  }
0x7: {  	_ =	strace $0x90000048  }
0x8: {  	s4 =	simm.s32 $0x1;
	_ =	strace $0x80000049  }
0x9: {  	_ =	swait.ge [sflag:s4], $0x80  }
0xa: {  	[sflag:s4] =	ssyncset.done $0x0  }
0xb: {  	s6 =	simm.s32 $0x80;
	s7 =	simm.s32 $0x100;
	[sflag:s4] =	ssyncadd.s32 $0xFFFFFF80  }
0xc: {  	s8 =	simm.s32 $0x5;
	s10 =	srdreg.scid;
	_ =	strace $0x90000049  }
0xd: {  	s10 =	sand.u32 $0x1, s10;
	s5 =	sadd.s32 $0x2C00, s5;
	_ =	strace $0x8000004A  }
0xe: {  	[tilespmem:s7], [sflag:$0x5] =	stream.indirect.gather [hbm4b:s5+s6], $0x80, s2, s6, $0x2000b8;
	[tilespmem:$0x8100] =	vst v63  }
0xf: {  	s10 =	ssub.s32 $0x2, s10;
	_ =	swait.ge [sflag:s8], $0x4000  }
0x10: {  	s11 =	sshll.u32 s1, $0xB;
	s31 =	sshrl.u32 s10, $0x1;
	[sflag:s8] =	ssyncset.done $0x0  }
0x11: {  	s9 =	sadd.s32 s9, s11;
	s11 =	ssub.s32 s10, s31;
	[sflag:s8] =	ssyncadd.s32 $0xFFFFC000  }
0x12: {  	s11 =	smax.u32 s11, $0x1;
	_ =	strace $0x9000004A  }
0x13: {  	p0 =	sne.s32 s11, $0x1;
	_ =	strace $0x8000004B  }
0x14: {  	[hbm4b:s9+s2] =	stream.linear.scatter [tilespmem:s7], [sflag:$0x3], $0x4000, $0x200038;
	[tilespmem:$0x8100] =	vst v63  }
.Ltmp0:
0x15: {  	_ =	strace $0x9000004B;
	(pc) =	sbr.rel @!p0 .LBB2_2-.Ltmp0, $4  }
0x16: {  	s10 =	simm.s32 $0x3;
	_ =	strace $0x8000004C  }
0x17: {  	_ =	swait.ge [sflag:s10], $0x4000  }
0x18: {  	[sflag:s10] =	ssyncset.done $0x0  }
0x19: {  	s11 =	sadd.s32 $0xFFFFFFFF, s11;
	[sflag:s10] =	ssyncadd.s32 $0xFFFFC000  }
.LBB2_1:
0x1a: {  	p0 =	sne.s32 s11, $0x1;
	s11 =	sadd.s32 $0xFFFFFFFF, s11;
	_ =	strace $0x9000004C  }
0x1b: {  	_ =	strace $0x80000048  }
0x1c: {  	[tilespmem:s2], [sflag:$0x1] =	stream.linear.gather [hbm4b:s3+s2], $0x80, $0x200038;
	[tilespmem:$0x8100] =	vst v63  }
0x1d: {  	_ =	strace $0x90000048  }
0x1e: {  	_ =	strace $0x80000049  }
0x1f: {  	_ =	swait.ge [sflag:s4], $0x80  }
0x20: {  	[sflag:s4] =	ssyncset.done $0x0  }
0x21: {  	[sflag:s4] =	ssyncadd.s32 $0xFFFFFF80  }
0x22: {  	_ =	strace $0x90000049  }
0x23: {  	_ =	strace $0x8000004A  }
0x24: {  	[tilespmem:s7], [sflag:$0x5] =	stream.indirect.gather [hbm4b:s5+s6], $0x80, s2, s6, $0x2000b8;
	[tilespmem:$0x8100] =	vst v63  }
0x25: {  	_ =	swait.ge [sflag:s8], $0x4000  }
0x26: {  	[sflag:s8] =	ssyncset.done $0x0  }
0x27: {  	[sflag:s8] =	ssyncadd.s32 $0xFFFFC000  }
0x28: {  	_ =	strace $0x9000004A  }
0x29: {  	_ =	strace $0x8000004B  }
0x2a: {  	[hbm4b:s9+s2] =	stream.linear.scatter [tilespmem:s7], [sflag:$0x3], $0x4000, $0x200038;
	[tilespmem:$0x8100] =	vst v63  }
.Ltmp1:
0x2b: {  	_ =	strace $0x9000004B;
	(pc) =	sbr.rel @p0 .LBB2_1-.Ltmp1, $4  }
0x2c: {  	_ =	strace $0x8000004C  }
0x2d: {  	_ =	swait.ge [sflag:s10], $0x4000  }
0x2e: {  	[sflag:s10] =	ssyncset.done $0x0  }
0x2f: {  	[sflag:s10] =	ssyncadd.s32 $0xFFFFC000  }
.LBB2_2:
0x30: {  	_ =	strace $0x9000004C  }
0x31: {  	_ =	sfence.sel $0x180000  }
0x32: {  	[bflag:$0x0] =	sbarrier.arrive $0xFFFF  }
0x33: {  	p0 =	sne.s32 s1, $0x0;
	_ =	strace $0x90000047  }
0x34: {  	s0 =	sadd.s32 @!p0 $0x100000, s0;
	[bflag:$0x2] =	sbarrier.arrive $0xFFFF  }
0x35: {  	[sflag:s0] =	ssyncadd.tile.s32 @!p0 $0x1;
	_ =	shalt  }
.Lfunc_end2:
_tile_overlayer_lowered:
.L_overlay_start_2:
0x36: {  	(tag) =	ssettag $0x2  }
0x37: {  	s0 =	rddreg [dreg:$0x0];
	s2 =	stileid.u32  }
0x38: {  	s1 =	rddreg [dreg:$0x1];
	p0 =	sne.s32 s2, $0x0  }
0x39: {  	s3 =	rddreg [dreg:$0x2];
	[bflag:$0x3] =	sbarrier.arrive $0xFFFF;
	s2 =	simm.s32 @!p0 $0x1C01  }
0x3a: {  	[timem:s3], [sflag:s2] =	dma.local @!p0 [hbm:s0], s1  }
0x3b: {  	s0 =	simm.s32 @!p0 $0x1  }
0x3c: {  	_ =	swait.ge @!p0 [sflag:s0], s1  }
0x3d: {  	s1 =	ssub.s32 @!p0 $0x0, s1;
	[sflag:s0] =	ssyncset.done @!p0 $0x0  }
0x3e: {  	[sflag:s0] =	ssyncadd.s32 @!p0 s1  }
0x3f: {  	[bflag:$0x3] =	sbarrier.arrive $0xFFFF  }
0x40: {  	_ =	shalt  }

</sc_bundles>
